<compile_context>
chip_gen: v7x
topology: tpu7x:2x2x1
jax: 0.10.2.dev20260603
libtpu: 0.0.44.dev20260713+nightly
codegen_flags: <defaults>
</compile_context>

<pallas_src>
import functools

import jax
import jax.numpy as jnp
from jax import lax
from jax.experimental import pallas as pl
from jax.experimental.pallas import tpu as pltpu
from jax.experimental.pallas import tpu_sc as plsc

HIDDEN = 1024
INTER = 1024
E = 8
T = 2048
BT = 256
NB = T // BT + E - 1
NBPAD = 16
NBUF = NB * BT
NW = 32
TPW = T // NW


def _router_body(x_ref, gw_ref, pos_ref, pval_ref, be_ref, used_ref,
                 sl_ref, nxt_ref):
    x = x_ref[...]
    gw = gw_ref[...]
    logits = lax.dot_general(
        x, gw, (((1,), (1,)), ((), ())),
        preferred_element_type=jnp.float32,
        precision=lax.Precision.DEFAULT)
    lmax = jnp.max(logits, axis=1, keepdims=True)
    p = jnp.exp(logits - lmax)
    psum = jnp.sum(p, axis=1, keepdims=True)
    pmax = jnp.max(p, axis=1, keepdims=True)
    e_iota = lax.broadcasted_iota(jnp.int32, (T, E), 1)
    eid = jnp.min(jnp.where(p == pmax, e_iota, E), axis=1, keepdims=True)
    pval_ref[...] = pmax / psum

    oh = (e_iota == eid).astype(jnp.bfloat16)
    r_i = lax.broadcasted_iota(jnp.int32, (BT, BT), 0)
    c_i = lax.broadcasted_iota(jnp.int32, (BT, BT), 1)
    tri = (c_i < r_i).astype(jnp.bfloat16)
    rank_chunks = []
    running = jnp.zeros((1, E), jnp.float32)
    for i in range(T // BT):
        ohc = oh[i * BT:(i + 1) * BT]
        within = lax.dot_general(
            tri, ohc, (((1,), (0,)), ((), ())),
            preferred_element_type=jnp.float32)
        rank_chunks.append(within + running)
        running = running + jnp.sum(ohc.astype(jnp.float32), axis=0,
                                    keepdims=True)
    rank_all = jnp.concatenate(rank_chunks, axis=0)
    ohf = oh.astype(jnp.float32)
    rank = jnp.sum(rank_all * ohf, axis=1, keepdims=True)

    counts = running
    nb = jnp.floor((counts + (BT - 1)) / BT)
    u_r = lax.broadcasted_iota(jnp.int32, (E, E), 0)
    u_c = lax.broadcasted_iota(jnp.int32, (E, E), 1)
    u_incl = (u_r <= u_c).astype(jnp.float32)
    ic = lax.dot_general(
        nb, u_incl, (((1,), (0,)), ((), ())),
        preferred_element_type=jnp.float32)
    offs = (ic - nb) * BT
    pos = jnp.sum(ohf * offs, axis=1, keepdims=True) + rank
    pos_ref[...] = pos.astype(jnp.int32)

    b_iota = lax.broadcasted_iota(jnp.int32, (NBPAD, E), 0).astype(jnp.float32)
    be = jnp.sum((jnp.broadcast_to(ic, (NBPAD, E)) <= b_iota)
                 .astype(jnp.int32), axis=1, keepdims=True)
    be = jnp.minimum(be, E - 1)
    be_ref[...] = be
    used_ref[...] = ic[:, E - 1:E].astype(jnp.int32)

    present = (counts > 0.0).astype(jnp.float32)
    u_strict = (u_r < u_c).astype(jnp.float32)
    ordrank = lax.dot_general(
        present, u_strict, (((1,), (0,)), ((), ())),
        preferred_element_type=jnp.float32)
    slot_row = ordrank - 2.0 * jnp.floor(ordrank * 0.5)
    nxt_col = jnp.min(
        jnp.where((u_c > u_r) & (jnp.broadcast_to(present, (E, E)) > 0.0),
                  u_c.astype(jnp.float32), float(E)),
        axis=1, keepdims=True)
    eye = (u_r == u_c).astype(jnp.float32)
    nxt_row = lax.dot_general(
        nxt_col, eye, (((0,), (0,)), ((), ())),
        preferred_element_type=jnp.float32)
    e_iota_nb = lax.broadcasted_iota(jnp.int32, (NBPAD, E), 1)
    ohb = (e_iota_nb == be).astype(jnp.float32)
    sl_ref[...] = jnp.sum(ohb * slot_row, axis=1, keepdims=True).astype(jnp.int32)
    nxt_ref[...] = jnp.sum(ohb * nxt_row, axis=1, keepdims=True).astype(jnp.int32)


_router = pl.pallas_call(
    _router_body,
    out_shape=(
        jax.ShapeDtypeStruct((T, 1), jnp.int32),
        jax.ShapeDtypeStruct((T, 1), jnp.float32),
        jax.ShapeDtypeStruct((NBPAD, 1), jnp.int32),
        jax.ShapeDtypeStruct((1, 1), jnp.int32),
        jax.ShapeDtypeStruct((NBPAD, 1), jnp.int32),
        jax.ShapeDtypeStruct((NBPAD, 1), jnp.int32),
    ),
)


@functools.lru_cache(maxsize=None)
def _sc_kernels():
    mesh = plsc.VectorSubcoreMesh(core_axis_name="c", subcore_axis_name="s")

    @functools.partial(
        pl.kernel,
        out_type=jax.ShapeDtypeStruct((NBUF, HIDDEN), jnp.float32),
        scratch_types=[
            pltpu.VMEM((TPW,), jnp.int32),
            pltpu.VMEM((TPW, HIDDEN), jnp.float32),
            pltpu.SemaphoreType.DMA,
        ],
        mesh=mesh,
    )
    def dispatch(x_hbm, pos_hbm, xs_hbm, idx_v, rows_v, sem):
        wid = lax.axis_index("s") * 2 + lax.axis_index("c")
        base = wid * TPW
        pltpu.sync_copy(pos_hbm.at[pl.ds(base, TPW)], idx_v)
        pltpu.sync_copy(x_hbm.at[pl.ds(base, TPW)], rows_v)
        pltpu.async_copy(rows_v, xs_hbm.at[idx_v], sem).wait()

    @functools.partial(
        pl.kernel,
        out_type=jax.ShapeDtypeStruct((T, HIDDEN), jnp.float32),
        scratch_types=[
            pltpu.VMEM((TPW,), jnp.int32),
            pltpu.VMEM((TPW, HIDDEN), jnp.float32),
            pltpu.SemaphoreType.DMA,
        ],
        mesh=mesh,
    )
    def combine(ys_hbm, pos_hbm, out_hbm, idx_v, rows_v, sem):
        wid = lax.axis_index("s") * 2 + lax.axis_index("c")
        base = wid * TPW
        pltpu.sync_copy(pos_hbm.at[pl.ds(base, TPW)], idx_v)
        pltpu.async_copy(ys_hbm.at[idx_v], rows_v, sem).wait()
        pltpu.sync_copy(rows_v, out_hbm.at[pl.ds(base, TPW)])

    return dispatch, combine


def _start_fetch(e, s, wg_hbm, wu_hbm, wd_hbm, wg2, wu2, wd2, sem):
    pltpu.make_async_copy(wg_hbm.at[e], wg2.at[s], sem.at[s]).start()
    pltpu.make_async_copy(wu_hbm.at[e], wu2.at[s], sem.at[s]).start()
    pltpu.make_async_copy(wd_hbm.at[e], wd2.at[s], sem.at[s]).start()


def _wait_fetch(e, s, wg_hbm, wu_hbm, wd_hbm, wg2, wu2, wd2, sem):
    pltpu.make_async_copy(wg_hbm.at[e], wg2.at[s], sem.at[s]).wait()
    pltpu.make_async_copy(wu_hbm.at[e], wu2.at[s], sem.at[s]).wait()
    pltpu.make_async_copy(wd_hbm.at[e], wd2.at[s], sem.at[s]).wait()


def _expert_body(be_ref, used_ref, sl_ref, nxt_ref, xs_ref,
                 wg_hbm, wu_hbm, wd_hbm, ys_ref,
                 wg2, wu2, wd2, sem):
    b = pl.program_id(0)
    used = used_ref[0]
    live = b < used
    e = be_ref[b]
    first = jnp.logical_and(
        live, jnp.logical_or(b == 0, e != be_ref[jnp.maximum(b - 1, 0)]))
    s = sl_ref[b]
    nx = nxt_ref[b]
    hbm = (wg_hbm, wu_hbm, wd_hbm)
    bufs = (wg2, wu2, wd2)

    @pl.when(b == 0)
    def _prime():
        _start_fetch(e, 0, *hbm, *bufs, sem)

    @pl.when(jnp.logical_and(first, nx < E))
    def _prefetch_next():
        @pl.when(s == 0)
        def _():
            _start_fetch(nx, 1, *hbm, *bufs, sem)

        @pl.when(s == 1)
        def _():
            _start_fetch(nx, 0, *hbm, *bufs, sem)

    @pl.when(first)
    def _arrive():
        @pl.when(s == 0)
        def _():
            _wait_fetch(e, 0, *hbm, *bufs, sem)

        @pl.when(s == 1)
        def _():
            _wait_fetch(e, 1, *hbm, *bufs, sem)

    @pl.when(live)
    def _compute():
        xb = xs_ref[...]
        wg = wg2[s]
        wu = wu2[s]
        wd = wd2[s]
        g = lax.dot_general(xb, wg, (((1,), (1,)), ((), ())),
                            preferred_element_type=jnp.float32,
                            precision=lax.Precision.DEFAULT)
        u = lax.dot_general(xb, wu, (((1,), (1,)), ((), ())),
                            preferred_element_type=jnp.float32,
                            precision=lax.Precision.DEFAULT)
        h = (g / (1.0 + jnp.exp(-g))) * u
        ys_ref[...] = lax.dot_general(
            h, wd, (((1,), (1,)), ((), ())),
            preferred_element_type=jnp.float32,
            precision=lax.Precision.DEFAULT)


_experts = pl.pallas_call(
    _expert_body,
    grid_spec=pltpu.PrefetchScalarGridSpec(
        num_scalar_prefetch=4,
        grid=(NB,),
        in_specs=[
            pl.BlockSpec((BT, HIDDEN),
                         lambda b, be, used, sl, nxt: (jnp.minimum(b, used[0] - 1), 0)),
            pl.BlockSpec(memory_space=pltpu.MemorySpace.HBM),
            pl.BlockSpec(memory_space=pltpu.MemorySpace.HBM),
            pl.BlockSpec(memory_space=pltpu.MemorySpace.HBM),
        ],
        out_specs=pl.BlockSpec((BT, HIDDEN), lambda b, be, used, sl, nxt: (b, 0)),
        scratch_shapes=[
            pltpu.VMEM((2, INTER, HIDDEN), jnp.float32),
            pltpu.VMEM((2, INTER, HIDDEN), jnp.float32),
            pltpu.VMEM((2, HIDDEN, INTER), jnp.float32),
            pltpu.SemaphoreType.DMA((2,)),
        ],
    ),
    out_shape=jax.ShapeDtypeStruct((NBUF, HIDDEN), jnp.float32),
)


def _scale_body(y_ref, p_ref, o_ref):
    o_ref[...] = y_ref[...] * p_ref[...]


_scale = pl.pallas_call(
    _scale_body,
    grid=(T // BT,),
    in_specs=[
        pl.BlockSpec((BT, HIDDEN), lambda i: (i, 0)),
        pl.BlockSpec((BT, 1), lambda i: (i, 0)),
    ],
    out_specs=pl.BlockSpec((BT, HIDDEN), lambda i: (i, 0)),
    out_shape=jax.ShapeDtypeStruct((T, HIDDEN), jnp.float32),
)


def kernel(x, gate_w, w_gate_proj, w_up_proj, w_down_proj):
    pos2d, pval2d, be2d, used2d, sl2d, nxt2d = _router(x, gate_w)
    pos = pos2d.reshape(T)
    be = be2d.reshape(NBPAD)
    used = used2d.reshape(1)
    sl = sl2d.reshape(NBPAD)
    nxt = nxt2d.reshape(NBPAD)
    dispatch, combine = _sc_kernels()
    xs = dispatch(x, pos)
    ys = _experts(be, used, sl, nxt, xs, w_gate_proj, w_up_proj, w_down_proj)
    yt = combine(ys, pos)
    return _scale(yt, pval2d)

# --- scband reference (transcript-rebuilt; emitter-appended) ---
"""Pipeline reference for scband-step3p5-mo-emlp-7687991460209 (READ-ONLY COPY).

The authoritative reference and input builder live on the scoring server;
editing this copy changes nothing except your own understanding.
"""

import jax, jax.numpy as jnp
import numpy as np

HIDDEN = 1024
INTER = 1024
NUM_EXPERTS = 8
TOP_K = 1
T = 2048
ROUTED_SCALING_FACTOR = 1.0


def setup_inputs(seed: int = 0) -> dict:
    key = jax.random.key(seed)
    ks = jax.random.split(key, 5)
    x = jax.random.normal(ks[0], (T, HIDDEN), dtype=jnp.float32)
    gate_w = jax.random.normal(ks[1], (NUM_EXPERTS, HIDDEN), dtype=jnp.float32) * 0.02
    w_gate_proj = jax.random.normal(ks[2], (NUM_EXPERTS, INTER, HIDDEN), dtype=jnp.float32) * 0.02
    w_up_proj = jax.random.normal(ks[3], (NUM_EXPERTS, INTER, HIDDEN), dtype=jnp.float32) * 0.02
    w_down_proj = jax.random.normal(ks[4], (NUM_EXPERTS, HIDDEN, INTER), dtype=jnp.float32) * 0.02
    return {"x": x, "gate_w": gate_w, "w_gate_proj": w_gate_proj,
            "w_up_proj": w_up_proj, "w_down_proj": w_down_proj}


def reference(x, gate_w, w_gate_proj, w_up_proj, w_down_proj):
    # Router: linear gate (no bias), fp32 softmax, top-k selection.
    logits = x @ gate_w.T  # [T, E]
    probs = jax.nn.softmax(logits.astype(jnp.float32), axis=-1)
    topk_vals, topk_idx = jax.lax.top_k(probs, TOP_K)  # [T, K]
    Tn = x.shape[0]
    E = gate_w.shape[0]
    # Dense routing-weight matrix [T, E]: zeros except chosen experts (scatter-set).
    routing = jnp.zeros((Tn, E), dtype=x.dtype)
    routing = routing.at[jnp.arange(Tn)[:, None], topk_idx].set(topk_vals.astype(x.dtype))
    routing = routing * ROUTED_SCALING_FACTOR
    # Expert SwiGLU MLP, computed densely per expert, then combined with routing weights.
    g = jnp.einsum('td,eid->tei', x, w_gate_proj)  # [T, E, I]
    u = jnp.einsum('td,eid->tei', x, w_up_proj)    # [T, E, I]
    h = jax.nn.silu(g) * u                          # [T, E, I]
    o = jnp.einsum('tei,edi->ted', h, w_down_proj)  # [T, E, D]
    out = jnp.einsum('ted,te->td', o, routing)      # [T, D]
    return out

if __name__ == "__main__":
    import jax
    _d = setup_inputs()
    print(jax.jit(kernel)(*tuple(_d.values())))

</pallas_src>

<mosaic_0001>
#map = affine_map<(d0, d1) -> (0, 0)>
#map1 = affine_map<(d0, d1) -> (0)>
module attributes {stable_mosaic.version = 14 : i64} {
  func.func @combine(%arg0: i32, %arg1: i32, %arg2: memref<3840x1024xf32, #tpu.memory_space<hbm>>, %arg3: memref<2048xi32, #tpu.memory_space<hbm>>, %arg4: memref<2048x1024xf32, #tpu.memory_space<hbm>>, %arg5: memref<64xi32, #tpu.memory_space<vmem>>, %arg6: memref<64x1024xf32, #tpu.memory_space<vmem>>, %arg7: memref<!tpu.dma_semaphore, #tpu.memory_space<semaphore_mem>>) attributes {dimension_semantics = [#tpu.dimension_semantics<core_parallel>, #tpu.dimension_semantics<subcore_parallel>], iteration_bounds = array<i64: 2, 16>, scalar_prefetch = 0 : i64, scratch_operands = 3 : i64, tpu.core_type = #tpu.core_type<sc_vector_subcore>, window_params = [{transform_indices = #map}, {transform_indices = #map1}, {transform_indices = #map}]} {
    %mul3A = arith.constant 2 : i32
    %mul3A_0 = arith.muli %arg1, %mul3A : i32
    %add3A = arith.addi %mul3A_0, %arg0 : i32
    %mul3A_1 = arith.constant 64 : i32
    %mul3A_2 = arith.muli %add3A, %mul3A_1 : i32
    "tpu.region"() ({
      %run_scoped3A = tpu.sem_alloc : memref<!tpu.dma_semaphore, #tpu.memory_space<semaphore_mem>>
      %dma_start3A_7 = tpu.memref_slice %arg3[%mul3A_2] : memref<2048xi32, #tpu.memory_space<hbm>> -> memref<64xi32, #tpu.memory_space<hbm>>
      %dma_start3A_8 = tpu.memref_slice %arg3[%mul3A_2] : memref<2048xi32, #tpu.memory_space<hbm>> -> memref<64xi32, #tpu.memory_space<hbm>>
      tpu.enqueue_dma source(%dma_start3A_8 : memref<64xi32, #tpu.memory_space<hbm>>) target(%arg5 : memref<64xi32, #tpu.memory_space<vmem>>) target_semaphore(%run_scoped3A : memref<!tpu.dma_semaphore, #tpu.memory_space<semaphore_mem>>)
      %dma_wait3A_9 = tpu.memref_slice %arg3[%mul3A_2] : memref<2048xi32, #tpu.memory_space<hbm>> -> memref<64xi32, #tpu.memory_space<hbm>>
      %dma_wait3A_10 = tpu.memref_slice %arg3[%mul3A_2] : memref<2048xi32, #tpu.memory_space<hbm>> -> memref<64xi32, #tpu.memory_space<hbm>>
      tpu.wait_dma2 semaphore(%run_scoped3A : memref<!tpu.dma_semaphore, #tpu.memory_space<semaphore_mem>>) src(%dma_wait3A_10 : memref<64xi32, #tpu.memory_space<hbm>>) dst(%arg5 : memref<64xi32, #tpu.memory_space<vmem>>)
      tpu.yield
    }) : () -> ()
    %dma_start3A = arith.constant 0 : i32
    %dma_start3A_3 = arith.constant 0 : i32
    %dma_start3A_4 = tpu.memref_slice %arg2[%dma_start3A, %dma_start3A_3] : memref<3840x1024xf32, #tpu.memory_space<hbm>> -> memref<3840x1024xf32, #tpu.memory_space<hbm>>
    tpu.enqueue_indirect_dma source(%dma_start3A_4 : memref<3840x1024xf32, #tpu.memory_space<hbm>>) target(%arg6 : memref<64x1024xf32, #tpu.memory_space<vmem>>) offsets(%arg5 : memref<64xi32, #tpu.memory_space<vmem>>) semaphore(%arg7 : memref<!tpu.dma_semaphore, #tpu.memory_space<semaphore_mem>>)
    %dma_wait3A = arith.constant 0 : i32
    %dma_wait3A_5 = arith.constant 0 : i32
    %dma_wait3A_6 = tpu.memref_slice %arg2[%dma_wait3A, %dma_wait3A_5] : memref<3840x1024xf32, #tpu.memory_space<hbm>> -> memref<3840x1024xf32, #tpu.memory_space<hbm>>
    tpu.wait_indirect_dma semaphore(%arg7 : memref<!tpu.dma_semaphore, #tpu.memory_space<semaphore_mem>>) src(%dma_wait3A_6 : memref<3840x1024xf32, #tpu.memory_space<hbm>>) dst(%arg6 : memref<64x1024xf32, #tpu.memory_space<vmem>>)
    "tpu.region"() ({
      %run_scoped3A = tpu.sem_alloc : memref<!tpu.dma_semaphore, #tpu.memory_space<semaphore_mem>>
      %dma_start3A_7 = arith.constant 0 : i32
      %dma_start3A_8 = tpu.memref_slice %arg4[%mul3A_2, %dma_start3A_7] : memref<2048x1024xf32, #tpu.memory_space<hbm>> -> memref<64x1024xf32, #tpu.memory_space<hbm>>
      %dma_start3A_9 = arith.constant 0 : i32
      %dma_start3A_10 = tpu.memref_slice %arg4[%mul3A_2, %dma_start3A_9] : memref<2048x1024xf32, #tpu.memory_space<hbm>> -> memref<64x1024xf32, #tpu.memory_space<hbm>>
      tpu.enqueue_dma source(%arg6 : memref<64x1024xf32, #tpu.memory_space<vmem>>) target(%dma_start3A_10 : memref<64x1024xf32, #tpu.memory_space<hbm>>) target_semaphore(%run_scoped3A : memref<!tpu.dma_semaphore, #tpu.memory_space<semaphore_mem>>)
      %dma_wait3A_11 = arith.constant 0 : i32
      %dma_wait3A_12 = tpu.memref_slice %arg4[%mul3A_2, %dma_wait3A_11] : memref<2048x1024xf32, #tpu.memory_space<hbm>> -> memref<64x1024xf32, #tpu.memory_space<hbm>>
      %dma_wait3A_13 = arith.constant 0 : i32
      %dma_wait3A_14 = tpu.memref_slice %arg4[%mul3A_2, %dma_wait3A_13] : memref<2048x1024xf32, #tpu.memory_space<hbm>> -> memref<64x1024xf32, #tpu.memory_space<hbm>>
      tpu.wait_dma2 semaphore(%run_scoped3A : memref<!tpu.dma_semaphore, #tpu.memory_space<semaphore_mem>>) src(%arg6 : memref<64x1024xf32, #tpu.memory_space<vmem>>) dst(%dma_wait3A_14 : memref<64x1024xf32, #tpu.memory_space<hbm>>)
      tpu.yield
    }) : () -> ()
    return
  }
}

#map = affine_map<(d0, d1) -> (0, 0)>
#map1 = affine_map<(d0, d1) -> (0)>
module attributes {stable_mosaic.version = 14 : i64} {
  func.func @dispatch(%arg0: i32, %arg1: i32, %arg2: memref<2048x1024xf32, #tpu.memory_space<hbm>>, %arg3: memref<2048xi32, #tpu.memory_space<hbm>>, %arg4: memref<3840x1024xf32, #tpu.memory_space<hbm>>, %arg5: memref<64xi32, #tpu.memory_space<vmem>>, %arg6: memref<64x1024xf32, #tpu.memory_space<vmem>>, %arg7: memref<!tpu.dma_semaphore, #tpu.memory_space<semaphore_mem>>) attributes {dimension_semantics = [#tpu.dimension_semantics<core_parallel>, #tpu.dimension_semantics<subcore_parallel>], iteration_bounds = array<i64: 2, 16>, scalar_prefetch = 0 : i64, scratch_operands = 3 : i64, tpu.core_type = #tpu.core_type<sc_vector_subcore>, window_params = [{transform_indices = #map}, {transform_indices = #map1}, {transform_indices = #map}]} {
    %mul3A = arith.constant 2 : i32
    %mul3A_0 = arith.muli %arg1, %mul3A : i32
    %add3A = arith.addi %mul3A_0, %arg0 : i32
    %mul3A_1 = arith.constant 64 : i32
    %mul3A_2 = arith.muli %add3A, %mul3A_1 : i32
    "tpu.region"() ({
      %run_scoped3A = tpu.sem_alloc : memref<!tpu.dma_semaphore, #tpu.memory_space<semaphore_mem>>
      %dma_start3A_7 = tpu.memref_slice %arg3[%mul3A_2] : memref<2048xi32, #tpu.memory_space<hbm>> -> memref<64xi32, #tpu.memory_space<hbm>>
      %dma_start3A_8 = tpu.memref_slice %arg3[%mul3A_2] : memref<2048xi32, #tpu.memory_space<hbm>> -> memref<64xi32, #tpu.memory_space<hbm>>
      tpu.enqueue_dma source(%dma_start3A_8 : memref<64xi32, #tpu.memory_space<hbm>>) target(%arg5 : memref<64xi32, #tpu.memory_space<vmem>>) target_semaphore(%run_scoped3A : memref<!tpu.dma_semaphore, #tpu.memory_space<semaphore_mem>>)
      %dma_wait3A_9 = tpu.memref_slice %arg3[%mul3A_2] : memref<2048xi32, #tpu.memory_space<hbm>> -> memref<64xi32, #tpu.memory_space<hbm>>
      %dma_wait3A_10 = tpu.memref_slice %arg3[%mul3A_2] : memref<2048xi32, #tpu.memory_space<hbm>> -> memref<64xi32, #tpu.memory_space<hbm>>
      tpu.wait_dma2 semaphore(%run_scoped3A : memref<!tpu.dma_semaphore, #tpu.memory_space<semaphore_mem>>) src(%dma_wait3A_10 : memref<64xi32, #tpu.memory_space<hbm>>) dst(%arg5 : memref<64xi32, #tpu.memory_space<vmem>>)
      tpu.yield
    }) : () -> ()
    "tpu.region"() ({
      %run_scoped3A = tpu.sem_alloc : memref<!tpu.dma_semaphore, #tpu.memory_space<semaphore_mem>>
      %dma_start3A_7 = arith.constant 0 : i32
      %dma_start3A_8 = tpu.memref_slice %arg2[%mul3A_2, %dma_start3A_7] : memref<2048x1024xf32, #tpu.memory_space<hbm>> -> memref<64x1024xf32, #tpu.memory_space<hbm>>
      %dma_start3A_9 = arith.constant 0 : i32
      %dma_start3A_10 = tpu.memref_slice %arg2[%mul3A_2, %dma_start3A_9] : memref<2048x1024xf32, #tpu.memory_space<hbm>> -> memref<64x1024xf32, #tpu.memory_space<hbm>>
      tpu.enqueue_dma source(%dma_start3A_10 : memref<64x1024xf32, #tpu.memory_space<hbm>>) target(%arg6 : memref<64x1024xf32, #tpu.memory_space<vmem>>) target_semaphore(%run_scoped3A : memref<!tpu.dma_semaphore, #tpu.memory_space<semaphore_mem>>)
      %dma_wait3A_11 = arith.constant 0 : i32
      %dma_wait3A_12 = tpu.memref_slice %arg2[%mul3A_2, %dma_wait3A_11] : memref<2048x1024xf32, #tpu.memory_space<hbm>> -> memref<64x1024xf32, #tpu.memory_space<hbm>>
      %dma_wait3A_13 = arith.constant 0 : i32
      %dma_wait3A_14 = tpu.memref_slice %arg2[%mul3A_2, %dma_wait3A_13] : memref<2048x1024xf32, #tpu.memory_space<hbm>> -> memref<64x1024xf32, #tpu.memory_space<hbm>>
      tpu.wait_dma2 semaphore(%run_scoped3A : memref<!tpu.dma_semaphore, #tpu.memory_space<semaphore_mem>>) src(%dma_wait3A_14 : memref<64x1024xf32, #tpu.memory_space<hbm>>) dst(%arg6 : memref<64x1024xf32, #tpu.memory_space<vmem>>)
      tpu.yield
    }) : () -> ()
    %dma_start3A = arith.constant 0 : i32
    %dma_start3A_3 = arith.constant 0 : i32
    %dma_start3A_4 = tpu.memref_slice %arg4[%dma_start3A, %dma_start3A_3] : memref<3840x1024xf32, #tpu.memory_space<hbm>> -> memref<3840x1024xf32, #tpu.memory_space<hbm>>
    tpu.enqueue_indirect_dma source(%arg6 : memref<64x1024xf32, #tpu.memory_space<vmem>>) target(%dma_start3A_4 : memref<3840x1024xf32, #tpu.memory_space<hbm>>) offsets(%arg5 : memref<64xi32, #tpu.memory_space<vmem>>) semaphore(%arg7 : memref<!tpu.dma_semaphore, #tpu.memory_space<semaphore_mem>>)
    %dma_wait3A = arith.constant 0 : i32
    %dma_wait3A_5 = arith.constant 0 : i32
    %dma_wait3A_6 = tpu.memref_slice %arg4[%dma_wait3A, %dma_wait3A_5] : memref<3840x1024xf32, #tpu.memory_space<hbm>> -> memref<3840x1024xf32, #tpu.memory_space<hbm>>
    tpu.wait_indirect_dma semaphore(%arg7 : memref<!tpu.dma_semaphore, #tpu.memory_space<semaphore_mem>>) src(%arg6 : memref<64x1024xf32, #tpu.memory_space<vmem>>) dst(%dma_wait3A_6 : memref<3840x1024xf32, #tpu.memory_space<hbm>>)
    return
  }
}

module attributes {stable_mosaic.version = 14 : i64} {
  func.func @_scale_body(%arg0: i32, %arg1: memref<256x1024xf32, #tpu.memory_space<vmem>>, %arg2: memref<256x1xf32, #tpu.memory_space<vmem>>, %arg3: memref<256x1024xf32, #tpu.memory_space<vmem>>) attributes {dimension_semantics = [#tpu.dimension_semantics<arbitrary>], iteration_bounds = array<i64: 8>, scalar_prefetch = 0 : i64, scratch_operands = 0 : i64, tpu.core_type = #tpu.core_type<tc>, window_params = [{transform_indices = @transform_0, window_bounds = array<i64: 256, 1024>}, {transform_indices = @transform_1, window_bounds = array<i64: 256, 1>}, {transform_indices = @transform_2, window_bounds = array<i64: 256, 1024>}]} {
    %get3A = arith.constant 0 : index
    %get3A_0 = arith.constant 0 : index
    %get3A_1 = vector.load %arg1[%get3A, %get3A_0] : memref<256x1024xf32, #tpu.memory_space<vmem>>, vector<256x1024xf32>
    %get3A_2 = arith.constant 0 : index
    %get3A_3 = arith.constant 0 : index
    %get3A_4 = vector.load %arg2[%get3A_2, %get3A_3] : memref<256x1xf32, #tpu.memory_space<vmem>>, vector<256x1xf32>
    %mul3A = vector.broadcast %get3A_4 : vector<256x1xf32> to vector<256x1024xf32>
    %mul3A_5 = arith.mulf %get3A_1, %mul3A : vector<256x1024xf32>
    %swap3A = arith.constant 0 : index
    %swap3A_6 = arith.constant 0 : index
    %swap3A_7 = vector.load %arg3[%swap3A, %swap3A_6] : memref<256x1024xf32, #tpu.memory_space<vmem>>, vector<256x1024xf32>
    tpu.vector_store %arg3[%swap3A, %swap3A_6], %mul3A_5 {strides = array<i32>} : memref<256x1024xf32, #tpu.memory_space<vmem>>, vector<256x1024xf32>,
    return
  }
  func.func @transform_0(%arg0: i32) -> (i32, i32) {
    %c0_i32 = arith.constant 0 : i32
    %c0_i32_0 = arith.constant 0 : i32
    return %arg0, %c0_i32 : i32, i32
  }
  func.func @transform_1(%arg0: i32) -> (i32, i32) {
    %c0_i32 = arith.constant 0 : i32
    %c0_i32_0 = arith.constant 0 : i32
    return %arg0, %c0_i32 : i32, i32
  }
  func.func @transform_2(%arg0: i32) -> (i32, i32) {
    %c0_i32 = arith.constant 0 : i32
    %c0_i32_0 = arith.constant 0 : i32
    return %arg0, %c0_i32 : i32, i32
  }
}

module attributes {stable_mosaic.version = 14 : i64} {
  func.func @_router_body(%arg0: memref<2048x1024xf32, #tpu.memory_space<vmem>>, %arg1: memref<8x1024xf32, #tpu.memory_space<vmem>>, %arg2: memref<2048x1xi32, #tpu.memory_space<vmem>>, %arg3: memref<2048x1xf32, #tpu.memory_space<vmem>>, %arg4: memref<16x1xi32, #tpu.memory_space<vmem>>, %arg5: memref<1x1xi32, #tpu.memory_space<vmem>>, %arg6: memref<16x1xi32, #tpu.memory_space<vmem>>, %arg7: memref<16x1xi32, #tpu.memory_space<vmem>>) attributes {dimension_semantics = [], scalar_prefetch = 0 : i64, scratch_operands = 0 : i64, tpu.core_type = #tpu.core_type<tc>} {
    %get3A = arith.constant 0 : index
    %get3A_0 = arith.constant 0 : index
    %get3A_1 = vector.load %arg0[%get3A, %get3A_0] : memref<2048x1024xf32, #tpu.memory_space<vmem>>, vector<2048x1024xf32>
    %get3A_2 = arith.constant 0 : index
    %get3A_3 = arith.constant 0 : index
    %get3A_4 = vector.load %arg1[%get3A_2, %get3A_3] : memref<8x1024xf32, #tpu.memory_space<vmem>>, vector<8x1024xf32>
    %dot_general3A = arith.constant dense<0.000000e+00> : vector<2048x8xf32>
    %dot_general3A_5 = tpu.matmul %get3A_1, %get3A_4, %dot_general3A {dimension_numbers = #tpu.dot_dimension_numbers<[1], [1], [0], [0], [0, 0, 1, 0], [], []>, transpose_lhs_hint = false} : vector<2048x1024xf32>, vector<8x1024xf32>, vector<2048x8xf32> -> vector<2048x8xf32>
    %reduce_max3A = arith.constant dense<0xFF800000> : vector<2048xf32>
    %reduce_max3A_6 = vector.multi_reduction <maximumf>, %dot_general3A_5, %reduce_max3A [1] : vector<2048x8xf32> to vector<2048xf32>
    %broadcast_in_dim3A = vector.shape_cast %reduce_max3A_6 : vector<2048xf32> to vector<2048x1xf32>
    %sub3A = vector.broadcast %broadcast_in_dim3A : vector<2048x1xf32> to vector<2048x8xf32>
    %sub3A_7 = arith.subf %dot_general3A_5, %sub3A : vector<2048x8xf32>
    %exp3A = math.exp %sub3A_7 : vector<2048x8xf32>
    %reduce_sum3A = arith.constant dense<0.000000e+00> : vector<2048xf32>
    %reduce_sum3A_8 = vector.multi_reduction <add>, %exp3A, %reduce_sum3A [1] : vector<2048x8xf32> to vector<2048xf32>
    %broadcast_in_dim3A_9 = vector.shape_cast %reduce_sum3A_8 : vector<2048xf32> to vector<2048x1xf32>
    %reduce_max3A_10 = arith.constant dense<0xFF800000> : vector<2048xf32>
    %reduce_max3A_11 = vector.multi_reduction <maximumf>, %exp3A, %reduce_max3A_10 [1] : vector<2048x8xf32> to vector<2048xf32>
    %broadcast_in_dim3A_12 = vector.shape_cast %reduce_max3A_11 : vector<2048xf32> to vector<2048x1xf32>
    %iota3A = tpu.iota {dimensions = array<i32: 1>} : vector<2048x8xi32>
    %eq3A = vector.broadcast %broadcast_in_dim3A_12 : vector<2048x1xf32> to vector<2048x8xf32>
    %eq3A_13 = arith.cmpf oeq, %exp3A, %eq3A : vector<2048x8xf32>
    %jit3A = arith.constant 8 : i32
    %broadcast_in_dim3A_14 = vector.broadcast %jit3A : i32 to vector<2048x8xi32>
    %select_n3A = arith.select %eq3A_13, %iota3A, %broadcast_in_dim3A_14 : vector<2048x8xi1>, vector<2048x8xi32>
    %reduce_min3A = arith.constant dense<2147483647> : vector<2048xi32>
    %reduce_min3A_15 = vector.multi_reduction <minsi>, %select_n3A, %reduce_min3A [1] : vector<2048x8xi32> to vector<2048xi32>
    %broadcast_in_dim3A_16 = vector.shape_cast %reduce_min3A_15 : vector<2048xi32> to vector<2048x1xi32>
    %div3A = arith.divf %broadcast_in_dim3A_12, %broadcast_in_dim3A_9 : vector<2048x1xf32>
    %swap3A = arith.constant 0 : index
    %swap3A_17 = arith.constant 0 : index
    %swap3A_18 = vector.load %arg3[%swap3A, %swap3A_17] : memref<2048x1xf32, #tpu.memory_space<vmem>>, vector<2048x1xf32>
    tpu.vector_store %arg3[%swap3A, %swap3A_17], %div3A {strides = array<i32>} : memref<2048x1xf32, #tpu.memory_space<vmem>>, vector<2048x1xf32>,
    %eq3A_19 = vector.broadcast %broadcast_in_dim3A_16 : vector<2048x1xi32> to vector<2048x8xi32>
    %eq3A_20 = arith.cmpi eq, %iota3A, %eq3A_19 : vector<2048x8xi32>
    %convert_element_type3A = arith.extui %eq3A_20 : vector<2048x8xi1> to vector<2048x8xi32>
    %convert_element_type3A_21 = arith.sitofp %convert_element_type3A : vector<2048x8xi32> to vector<2048x8xf32>
    %convert_element_type3A_22 = arith.truncf %convert_element_type3A_21 : vector<2048x8xf32> to vector<2048x8xbf16>
    %iota3A_23 = tpu.iota {dimensions = array<i32: 0>} : vector<256x256xi32>
    %iota3A_24 = tpu.iota {dimensions = array<i32: 1>} : vector<256x256xi32>
    %lt3A = arith.cmpi slt, %iota3A_24, %iota3A_23 : vector<256x256xi32>
    %convert_element_type3A_25 = arith.extui %lt3A : vector<256x256xi1> to vector<256x256xi32>
    %convert_element_type3A_26 = arith.sitofp %convert_element_type3A_25 : vector<256x256xi32> to vector<256x256xf32>
    %convert_element_type3A_27 = arith.truncf %convert_element_type3A_26 : vector<256x256xf32> to vector<256x256xbf16>
    %broadcast_in_dim3A_28 = arith.constant 0.000000e+00 : f32
    %broadcast_in_dim3A_29 = vector.broadcast %broadcast_in_dim3A_28 : f32 to vector<1x8xf32>
    %slice3A = vector.extract_strided_slice %convert_element_type3A_22 {offsets = [0, 0], sizes = [256, 8], strides = [1, 1]} : vector<2048x8xbf16> to vector<256x8xbf16>
    %dot_general3A_30 = arith.constant dense<0.000000e+00> : vector<256x8xf32>
    %dot_general3A_31 = tpu.matmul %convert_element_type3A_27, %slice3A, %dot_general3A_30 {dimension_numbers = #tpu.dot_dimension_numbers<[1], [0], [0], [1], [0, 0, 1, 1], [], []>, transpose_lhs_hint = false} : vector<256x256xbf16>, vector<256x8xbf16>, vector<256x8xf32> -> vector<256x8xf32>
    %add3A = vector.broadcast %broadcast_in_dim3A_29 : vector<1x8xf32> to vector<256x8xf32>
    %add3A_32 = arith.addf %dot_general3A_31, %add3A : vector<256x8xf32>
    %convert_element_type3A_33 = arith.extf %slice3A : vector<256x8xbf16> to vector<256x8xf32>
    %reduce_sum3A_34 = arith.constant dense<0.000000e+00> : vector<8xf32>
    %reduce_sum3A_35 = vector.multi_reduction <add>, %convert_element_type3A_33, %reduce_sum3A_34 [0] : vector<256x8xf32> to vector<8xf32>
    %broadcast_in_dim3A_36 = vector.shape_cast %reduce_sum3A_35 : vector<8xf32> to vector<1x8xf32>
    %add3A_37 = arith.addf %broadcast_in_dim3A_29, %broadcast_in_dim3A_36 : vector<1x8xf32>
    %slice3A_38 = vector.extract_strided_slice %convert_element_type3A_22 {offsets = [256, 0], sizes = [256, 8], strides = [1, 1]} : vector<2048x8xbf16> to vector<256x8xbf16>
    %dot_general3A_39 = arith.constant dense<0.000000e+00> : vector<256x8xf32>
    %dot_general3A_40 = tpu.matmul %convert_element_type3A_27, %slice3A_38, %dot_general3A_39 {dimension_numbers = #tpu.dot_dimension_numbers<[1], [0], [0], [1], [0, 0, 1, 1], [], []>, transpose_lhs_hint = false} : vector<256x256xbf16>, vector<256x8xbf16>, vector<256x8xf32> -> vector<256x8xf32>
    %add3A_41 = vector.broadcast %add3A_37 : vector<1x8xf32> to vector<256x8xf32>
    %add3A_42 = arith.addf %dot_general3A_40, %add3A_41 : vector<256x8xf32>
    %convert_element_type3A_43 = arith.extf %slice3A_38 : vector<256x8xbf16> to vector<256x8xf32>
    %reduce_sum3A_44 = arith.constant dense<0.000000e+00> : vector<8xf32>
    %reduce_sum3A_45 = vector.multi_reduction <add>, %convert_element_type3A_43, %reduce_sum3A_44 [0] : vector<256x8xf32> to vector<8xf32>
    %broadcast_in_dim3A_46 = vector.shape_cast %reduce_sum3A_45 : vector<8xf32> to vector<1x8xf32>
    %add3A_47 = arith.addf %add3A_37, %broadcast_in_dim3A_46 : vector<1x8xf32>
    %slice3A_48 = vector.extract_strided_slice %convert_element_type3A_22 {offsets = [512, 0], sizes = [256, 8], strides = [1, 1]} : vector<2048x8xbf16> to vector<256x8xbf16>
    %dot_general3A_49 = arith.constant dense<0.000000e+00> : vector<256x8xf32>
    %dot_general3A_50 = tpu.matmul %convert_element_type3A_27, %slice3A_48, %dot_general3A_49 {dimension_numbers = #tpu.dot_dimension_numbers<[1], [0], [0], [1], [0, 0, 1, 1], [], []>, transpose_lhs_hint = false} : vector<256x256xbf16>, vector<256x8xbf16>, vector<256x8xf32> -> vector<256x8xf32>
    %add3A_51 = vector.broadcast %add3A_47 : vector<1x8xf32> to vector<256x8xf32>
    %add3A_52 = arith.addf %dot_general3A_50, %add3A_51 : vector<256x8xf32>
    %convert_element_type3A_53 = arith.extf %slice3A_48 : vector<256x8xbf16> to vector<256x8xf32>
    %reduce_sum3A_54 = arith.constant dense<0.000000e+00> : vector<8xf32>
    %reduce_sum3A_55 = vector.multi_reduction <add>, %convert_element_type3A_53, %reduce_sum3A_54 [0] : vector<256x8xf32> to vector<8xf32>
    %broadcast_in_dim3A_56 = vector.shape_cast %reduce_sum3A_55 : vector<8xf32> to vector<1x8xf32>
    %add3A_57 = arith.addf %add3A_47, %broadcast_in_dim3A_56 : vector<1x8xf32>
    %slice3A_58 = vector.extract_strided_slice %convert_element_type3A_22 {offsets = [768, 0], sizes = [256, 8], strides = [1, 1]} : vector<2048x8xbf16> to vector<256x8xbf16>
    %dot_general3A_59 = arith.constant dense<0.000000e+00> : vector<256x8xf32>
    %dot_general3A_60 = tpu.matmul %convert_element_type3A_27, %slice3A_58, %dot_general3A_59 {dimension_numbers = #tpu.dot_dimension_numbers<[1], [0], [0], [1], [0, 0, 1, 1], [], []>, transpose_lhs_hint = false} : vector<256x256xbf16>, vector<256x8xbf16>, vector<256x8xf32> -> vector<256x8xf32>
    %add3A_61 = vector.broadcast %add3A_57 : vector<1x8xf32> to vector<256x8xf32>
    %add3A_62 = arith.addf %dot_general3A_60, %add3A_61 : vector<256x8xf32>
    %convert_element_type3A_63 = arith.extf %slice3A_58 : vector<256x8xbf16> to vector<256x8xf32>
    %reduce_sum3A_64 = arith.constant dense<0.000000e+00> : vector<8xf32>
    %reduce_sum3A_65 = vector.multi_reduction <add>, %convert_element_type3A_63, %reduce_sum3A_64 [0] : vector<256x8xf32> to vector<8xf32>
    %broadcast_in_dim3A_66 = vector.shape_cast %reduce_sum3A_65 : vector<8xf32> to vector<1x8xf32>
    %add3A_67 = arith.addf %add3A_57, %broadcast_in_dim3A_66 : vector<1x8xf32>
    %slice3A_68 = vector.extract_strided_slice %convert_element_type3A_22 {offsets = [1024, 0], sizes = [256, 8], strides = [1, 1]} : vector<2048x8xbf16> to vector<256x8xbf16>
    %dot_general3A_69 = arith.constant dense<0.000000e+00> : vector<256x8xf32>
    %dot_general3A_70 = tpu.matmul %convert_element_type3A_27, %slice3A_68, %dot_general3A_69 {dimension_numbers = #tpu.dot_dimension_numbers<[1], [0], [0], [1], [0, 0, 1, 1], [], []>, transpose_lhs_hint = false} : vector<256x256xbf16>, vector<256x8xbf16>, vector<256x8xf32> -> vector<256x8xf32>
    %add3A_71 = vector.broadcast %add3A_67 : vector<1x8xf32> to vector<256x8xf32>
    %add3A_72 = arith.addf %dot_general3A_70, %add3A_71 : vector<256x8xf32>
    %convert_element_type3A_73 = arith.extf %slice3A_68 : vector<256x8xbf16> to vector<256x8xf32>
    %reduce_sum3A_74 = arith.constant dense<0.000000e+00> : vector<8xf32>
    %reduce_sum3A_75 = vector.multi_reduction <add>, %convert_element_type3A_73, %reduce_sum3A_74 [0] : vector<256x8xf32> to vector<8xf32>
    %broadcast_in_dim3A_76 = vector.shape_cast %reduce_sum3A_75 : vector<8xf32> to vector<1x8xf32>
    %add3A_77 = arith.addf %add3A_67, %broadcast_in_dim3A_76 : vector<1x8xf32>
    %slice3A_78 = vector.extract_strided_slice %convert_element_type3A_22 {offsets = [1280, 0], sizes = [256, 8], strides = [1, 1]} : vector<2048x8xbf16> to vector<256x8xbf16>
    %dot_general3A_79 = arith.constant dense<0.000000e+00> : vector<256x8xf32>
    %dot_general3A_80 = tpu.matmul %convert_element_type3A_27, %slice3A_78, %dot_general3A_79 {dimension_numbers = #tpu.dot_dimension_numbers<[1], [0], [0], [1], [0, 0, 1, 1], [], []>, transpose_lhs_hint = false} : vector<256x256xbf16>, vector<256x8xbf16>, vector<256x8xf32> -> vector<256x8xf32>
    %add3A_81 = vector.broadcast %add3A_77 : vector<1x8xf32> to vector<256x8xf32>
    %add3A_82 = arith.addf %dot_general3A_80, %add3A_81 : vector<256x8xf32>
    %convert_element_type3A_83 = arith.extf %slice3A_78 : vector<256x8xbf16> to vector<256x8xf32>
    %reduce_sum3A_84 = arith.constant dense<0.000000e+00> : vector<8xf32>
    %reduce_sum3A_85 = vector.multi_reduction <add>, %convert_element_type3A_83, %reduce_sum3A_84 [0] : vector<256x8xf32> to vector<8xf32>
    %broadcast_in_dim3A_86 = vector.shape_cast %reduce_sum3A_85 : vector<8xf32> to vector<1x8xf32>
    %add3A_87 = arith.addf %add3A_77, %broadcast_in_dim3A_86 : vector<1x8xf32>
    %slice3A_88 = vector.extract_strided_slice %convert_element_type3A_22 {offsets = [1536, 0], sizes = [256, 8], strides = [1, 1]} : vector<2048x8xbf16> to vector<256x8xbf16>
    %dot_general3A_89 = arith.constant dense<0.000000e+00> : vector<256x8xf32>
    %dot_general3A_90 = tpu.matmul %convert_element_type3A_27, %slice3A_88, %dot_general3A_89 {dimension_numbers = #tpu.dot_dimension_numbers<[1], [0], [0], [1], [0, 0, 1, 1], [], []>, transpose_lhs_hint = false} : vector<256x256xbf16>, vector<256x8xbf16>, vector<256x8xf32> -> vector<256x8xf32>
    %add3A_91 = vector.broadcast %add3A_87 : vector<1x8xf32> to vector<256x8xf32>
    %add3A_92 = arith.addf %dot_general3A_90, %add3A_91 : vector<256x8xf32>
    %convert_element_type3A_93 = arith.extf %slice3A_88 : vector<256x8xbf16> to vector<256x8xf32>
    %reduce_sum3A_94 = arith.constant dense<0.000000e+00> : vector<8xf32>
    %reduce_sum3A_95 = vector.multi_reduction <add>, %convert_element_type3A_93, %reduce_sum3A_94 [0] : vector<256x8xf32> to vector<8xf32>
    %broadcast_in_dim3A_96 = vector.shape_cast %reduce_sum3A_95 : vector<8xf32> to vector<1x8xf32>
    %add3A_97 = arith.addf %add3A_87, %broadcast_in_dim3A_96 : vector<1x8xf32>
    %slice3A_98 = vector.extract_strided_slice %convert_element_type3A_22 {offsets = [1792, 0], sizes = [256, 8], strides = [1, 1]} : vector<2048x8xbf16> to vector<256x8xbf16>
    %dot_general3A_99 = arith.constant dense<0.000000e+00> : vector<256x8xf32>
    %dot_general3A_100 = tpu.matmul %convert_element_type3A_27, %slice3A_98, %dot_general3A_99 {dimension_numbers = #tpu.dot_dimension_numbers<[1], [0], [0], [1], [0, 0, 1, 1], [], []>, transpose_lhs_hint = false} : vector<256x256xbf16>, vector<256x8xbf16>, vector<256x8xf32> -> vector<256x8xf32>
    %add3A_101 = vector.broadcast %add3A_97 : vector<1x8xf32> to vector<256x8xf32>
    %add3A_102 = arith.addf %dot_general3A_100, %add3A_101 : vector<256x8xf32>
    %convert_element_type3A_103 = arith.extf %slice3A_98 : vector<256x8xbf16> to vector<256x8xf32>
    %reduce_sum3A_104 = arith.constant dense<0.000000e+00> : vector<8xf32>
    %reduce_sum3A_105 = vector.multi_reduction <add>, %convert_element_type3A_103, %reduce_sum3A_104 [0] : vector<256x8xf32> to vector<8xf32>
    %broadcast_in_dim3A_106 = vector.shape_cast %reduce_sum3A_105 : vector<8xf32> to vector<1x8xf32>
    %add3A_107 = arith.addf %add3A_97, %broadcast_in_dim3A_106 : vector<1x8xf32>
    %concatenate3A = tpu.concatenate %add3A_32, %add3A_42, %add3A_52, %add3A_62, %add3A_72, %add3A_82, %add3A_92, %add3A_102 in 0 : vector<256x8xf32>, vector<256x8xf32>, vector<256x8xf32>, vector<256x8xf32>, vector<256x8xf32>, vector<256x8xf32>, vector<256x8xf32>, vector<256x8xf32> -> vector<2048x8xf32>
    %convert_element_type3A_108 = arith.extf %convert_element_type3A_22 : vector<2048x8xbf16> to vector<2048x8xf32>
    %mul3A = arith.mulf %concatenate3A, %convert_element_type3A_108 : vector<2048x8xf32>
    %reduce_sum3A_109 = arith.constant dense<0.000000e+00> : vector<2048xf32>
    %reduce_sum3A_110 = vector.multi_reduction <add>, %mul3A, %reduce_sum3A_109 [1] : vector<2048x8xf32> to vector<2048xf32>
    %broadcast_in_dim3A_111 = vector.shape_cast %reduce_sum3A_110 : vector<2048xf32> to vector<2048x1xf32>
    %add3A_112 = arith.constant 2.550000e+02 : f32
    %add3A_113 = vector.broadcast %add3A_112 : f32 to vector<1x8xf32>
    %add3A_114 = arith.addf %add3A_107, %add3A_113 : vector<1x8xf32>
    %div3A_115 = arith.constant 2.560000e+02 : f32
    %div3A_116 = vector.broadcast %div3A_115 : f32 to vector<1x8xf32>
    %div3A_117 = arith.divf %add3A_114, %div3A_116 : vector<1x8xf32>
    %floor3A = math.floor %div3A_117 : vector<1x8xf32>
    %iota3A_118 = tpu.iota {dimensions = array<i32: 0>} : vector<8x8xi32>
    %iota3A_119 = tpu.iota {dimensions = array<i32: 1>} : vector<8x8xi32>
    %le3A = arith.cmpi sle, %iota3A_118, %iota3A_119 : vector<8x8xi32>
    %convert_element_type3A_120 = arith.extui %le3A : vector<8x8xi1> to vector<8x8xi32>
    %convert_element_type3A_121 = arith.sitofp %convert_element_type3A_120 : vector<8x8xi32> to vector<8x8xf32>
    %dot_general3A_122 = arith.constant dense<0.000000e+00> : vector<1x8xf32>
    %dot_general3A_123 = tpu.matmul %floor3A, %convert_element_type3A_121, %dot_general3A_122 {dimension_numbers = #tpu.dot_dimension_numbers<[1], [0], [0], [1], [0, 0, 1, 1], [], []>, transpose_lhs_hint = false} : vector<1x8xf32>, vector<8x8xf32>, vector<1x8xf32> -> vector<1x8xf32>
    %sub3A_124 = arith.subf %dot_general3A_123, %floor3A : vector<1x8xf32>
    %mul3A_125 = arith.constant 2.560000e+02 : f32
    %mul3A_126 = vector.broadcast %mul3A_125 : f32 to vector<1x8xf32>
    %mul3A_127 = arith.mulf %sub3A_124, %mul3A_126 : vector<1x8xf32>
    %mul3A_128 = vector.broadcast %mul3A_127 : vector<1x8xf32> to vector<2048x8xf32>
    %mul3A_129 = arith.mulf %convert_element_type3A_108, %mul3A_128 : vector<2048x8xf32>
    %reduce_sum3A_130 = arith.constant dense<0.000000e+00> : vector<2048xf32>
    %reduce_sum3A_131 = vector.multi_reduction <add>, %mul3A_129, %reduce_sum3A_130 [1] : vector<2048x8xf32> to vector<2048xf32>
    %broadcast_in_dim3A_132 = vector.shape_cast %reduce_sum3A_131 : vector<2048xf32> to vector<2048x1xf32>
    %add3A_133 = arith.addf %broadcast_in_dim3A_132, %broadcast_in_dim3A_111 : vector<2048x1xf32>
    %convert_element_type3A_134 = arith.fptosi %add3A_133 : vector<2048x1xf32> to vector<2048x1xi32>
    %swap3A_135 = arith.constant 0 : index
    %swap3A_136 = arith.constant 0 : index
    %swap3A_137 = vector.load %arg2[%swap3A_135, %swap3A_136] : memref<2048x1xi32, #tpu.memory_space<vmem>>, vector<2048x1xi32>
    tpu.vector_store %arg2[%swap3A_135, %swap3A_136], %convert_element_type3A_134 {strides = array<i32>} : memref<2048x1xi32, #tpu.memory_space<vmem>>, vector<2048x1xi32>,
    %iota3A_138 = tpu.iota {dimensions = array<i32: 0>} : vector<16x8xi32>
    %convert_element_type3A_139 = arith.sitofp %iota3A_138 : vector<16x8xi32> to vector<16x8xf32>
    %broadcast_in_dim3A_140 = vector.shape_cast %dot_general3A_123 : vector<1x8xf32> to vector<1x8xf32>
    %broadcast_in_dim3A_141 = vector.broadcast %broadcast_in_dim3A_140 : vector<1x8xf32> to vector<16x8xf32>
    %le3A_142 = arith.cmpf ole, %broadcast_in_dim3A_141, %convert_element_type3A_139 : vector<16x8xf32>
    %convert_element_type3A_143 = arith.extui %le3A_142 : vector<16x8xi1> to vector<16x8xi32>
    %reduce_sum3A_144 = arith.constant dense<0> : vector<16xi32>
    %reduce_sum3A_145 = vector.multi_reduction <add>, %convert_element_type3A_143, %reduce_sum3A_144 [1] : vector<16x8xi32> to vector<16xi32>
    %broadcast_in_dim3A_146 = vector.shape_cast %reduce_sum3A_145 : vector<16xi32> to vector<16x1xi32>
    %min3A = arith.constant 7 : i32
    %min3A_147 = vector.broadcast %min3A : i32 to vector<16x1xi32>
    %min3A_148 = arith.minsi %broadcast_in_dim3A_146, %min3A_147 : vector<16x1xi32>
    %swap3A_149 = arith.constant 0 : index
    %swap3A_150 = arith.constant 0 : index
    %swap3A_151 = vector.load %arg4[%swap3A_149, %swap3A_150] : memref<16x1xi32, #tpu.memory_space<vmem>>, vector<16x1xi32>
    tpu.vector_store %arg4[%swap3A_149, %swap3A_150], %min3A_148 {strides = array<i32>} : memref<16x1xi32, #tpu.memory_space<vmem>>, vector<16x1xi32>,
    %slice3A_152 = vector.extract_strided_slice %dot_general3A_123 {offsets = [0, 7], sizes = [1, 1], strides = [1, 1]} : vector<1x8xf32> to vector<1x1xf32>
    %convert_element_type3A_153 = arith.fptosi %slice3A_152 : vector<1x1xf32> to vector<1x1xi32>
    %swap3A_154 = arith.constant 0 : index
    %swap3A_155 = arith.constant 0 : index
    %swap3A_156 = vector.load %arg5[%swap3A_154, %swap3A_155] : memref<1x1xi32, #tpu.memory_space<vmem>>, vector<1x1xi32>
    tpu.vector_store %arg5[%swap3A_154, %swap3A_155], %convert_element_type3A_153 {strides = array<i32>} : memref<1x1xi32, #tpu.memory_space<vmem>>, vector<1x1xi32>,
    %gt3A = arith.constant 0.000000e+00 : f32
    %gt3A_157 = vector.broadcast %gt3A : f32 to vector<1x8xf32>
    %gt3A_158 = arith.cmpf ogt, %add3A_107, %gt3A_157 : vector<1x8xf32>
    %convert_element_type3A_159 = arith.extui %gt3A_158 : vector<1x8xi1> to vector<1x8xi32>
    %convert_element_type3A_160 = arith.sitofp %convert_element_type3A_159 : vector<1x8xi32> to vector<1x8xf32>
    %lt3A_161 = arith.cmpi slt, %iota3A_118, %iota3A_119 : vector<8x8xi32>
    %convert_element_type3A_162 = arith.extui %lt3A_161 : vector<8x8xi1> to vector<8x8xi32>
    %convert_element_type3A_163 = arith.sitofp %convert_element_type3A_162 : vector<8x8xi32> to vector<8x8xf32>
    %dot_general3A_164 = arith.constant dense<0.000000e+00> : vector<1x8xf32>
    %dot_general3A_165 = tpu.matmul %convert_element_type3A_160, %convert_element_type3A_163, %dot_general3A_164 {dimension_numbers = #tpu.dot_dimension_numbers<[1], [0], [0], [1], [0, 0, 1, 1], [], []>, transpose_lhs_hint = false} : vector<1x8xf32>, vector<8x8xf32>, vector<1x8xf32> -> vector<1x8xf32>
    %mul3A_166 = arith.constant 5.000000e-01 : f32
    %mul3A_167 = vector.broadcast %mul3A_166 : f32 to vector<1x8xf32>
    %mul3A_168 = arith.mulf %dot_general3A_165, %mul3A_167 : vector<1x8xf32>
    %floor3A_169 = math.floor %mul3A_168 : vector<1x8xf32>
    %mul3A_170 = arith.constant 2.000000e+00 : f32
    %mul3A_171 = vector.broadcast %mul3A_170 : f32 to vector<1x8xf32>
    %mul3A_172 = arith.mulf %mul3A_171, %floor3A_169 : vector<1x8xf32>
    %sub3A_173 = arith.subf %dot_general3A_165, %mul3A_172 : vector<1x8xf32>
    %gt3A_174 = arith.cmpi sgt, %iota3A_119, %iota3A_118 : vector<8x8xi32>
    %broadcast_in_dim3A_175 = vector.shape_cast %convert_element_type3A_160 : vector<1x8xf32> to vector<1x8xf32>
    %broadcast_in_dim3A_176 = vector.broadcast %broadcast_in_dim3A_175 : vector<1x8xf32> to vector<8x8xf32>
    %gt3A_177 = arith.constant 0.000000e+00 : f32
    %gt3A_178 = vector.broadcast %gt3A_177 : f32 to vector<8x8xf32>
    %gt3A_179 = arith.cmpf ogt, %broadcast_in_dim3A_176, %gt3A_178 : vector<8x8xf32>
    %and3A = arith.andi %gt3A_174, %gt3A_179 : vector<8x8xi1>
    %convert_element_type3A_180 = arith.sitofp %iota3A_119 : vector<8x8xi32> to vector<8x8xf32>
    %jit3A_181 = arith.constant 8.000000e+00 : f32
    %broadcast_in_dim3A_182 = vector.broadcast %jit3A_181 : f32 to vector<8x8xf32>
    %select_n3A_183 = arith.select %and3A, %convert_element_type3A_180, %broadcast_in_dim3A_182 : vector<8x8xi1>, vector<8x8xf32>
    %reduce_min3A_184 = arith.constant dense<0x7F800000> : vector<8xf32>
    %reduce_min3A_185 = vector.multi_reduction <minimumf>, %select_n3A_183, %reduce_min3A_184 [1] : vector<8x8xf32> to vector<8xf32>
    %broadcast_in_dim3A_186 = vector.shape_cast %reduce_min3A_185 : vector<8xf32> to vector<8x1xf32>
    %eq3A_187 = arith.cmpi eq, %iota3A_118, %iota3A_119 : vector<8x8xi32>
    %convert_element_type3A_188 = arith.extui %eq3A_187 : vector<8x8xi1> to vector<8x8xi32>
    %convert_element_type3A_189 = arith.sitofp %convert_element_type3A_188 : vector<8x8xi32> to vector<8x8xf32>
    %dot_general3A_190 = arith.constant dense<0.000000e+00> : vector<1x8xf32>
    %dot_general3A_191 = tpu.matmul %broadcast_in_dim3A_186, %convert_element_type3A_189, %dot_general3A_190 {dimension_numbers = #tpu.dot_dimension_numbers<[0], [0], [1], [1], [0, 1, 1, 1], [], []>, transpose_lhs_hint = false} : vector<8x1xf32>, vector<8x8xf32>, vector<1x8xf32> -> vector<1x8xf32>
    %iota3A_192 = tpu.iota {dimensions = array<i32: 1>} : vector<16x8xi32>
    %eq3A_193 = vector.broadcast %min3A_148 : vector<16x1xi32> to vector<16x8xi32>
    %eq3A_194 = arith.cmpi eq, %iota3A_192, %eq3A_193 : vector<16x8xi32>
    %convert_element_type3A_195 = arith.extui %eq3A_194 : vector<16x8xi1> to vector<16x8xi32>
    %convert_element_type3A_196 = arith.sitofp %convert_element_type3A_195 : vector<16x8xi32> to vector<16x8xf32>
    %mul3A_197 = vector.broadcast %sub3A_173 : vector<1x8xf32> to vector<16x8xf32>
    %mul3A_198 = arith.mulf %convert_element_type3A_196, %mul3A_197 : vector<16x8xf32>
    %reduce_sum3A_199 = arith.constant dense<0.000000e+00> : vector<16xf32>
    %reduce_sum3A_200 = vector.multi_reduction <add>, %mul3A_198, %reduce_sum3A_199 [1] : vector<16x8xf32> to vector<16xf32>
    %broadcast_in_dim3A_201 = vector.shape_cast %reduce_sum3A_200 : vector<16xf32> to vector<16x1xf32>
    %convert_element_type3A_202 = arith.fptosi %broadcast_in_dim3A_201 : vector<16x1xf32> to vector<16x1xi32>
    %swap3A_203 = arith.constant 0 : index
    %swap3A_204 = arith.constant 0 : index
    %swap3A_205 = vector.load %arg6[%swap3A_203, %swap3A_204] : memref<16x1xi32, #tpu.memory_space<vmem>>, vector<16x1xi32>
    tpu.vector_store %arg6[%swap3A_203, %swap3A_204], %convert_element_type3A_202 {strides = array<i32>} : memref<16x1xi32, #tpu.memory_space<vmem>>, vector<16x1xi32>,
    %mul3A_206 = vector.broadcast %dot_general3A_191 : vector<1x8xf32> to vector<16x8xf32>
    %mul3A_207 = arith.mulf %convert_element_type3A_196, %mul3A_206 : vector<16x8xf32>
    %reduce_sum3A_208 = arith.constant dense<0.000000e+00> : vector<16xf32>
    %reduce_sum3A_209 = vector.multi_reduction <add>, %mul3A_207, %reduce_sum3A_208 [1] : vector<16x8xf32> to vector<16xf32>
    %broadcast_in_dim3A_210 = vector.shape_cast %reduce_sum3A_209 : vector<16xf32> to vector<16x1xf32>
    %convert_element_type3A_211 = arith.fptosi %broadcast_in_dim3A_210 : vector<16x1xf32> to vector<16x1xi32>
    %swap3A_212 = arith.constant 0 : index
    %swap3A_213 = arith.constant 0 : index
    %swap3A_214 = vector.load %arg7[%swap3A_212, %swap3A_213] : memref<16x1xi32, #tpu.memory_space<vmem>>, vector<16x1xi32>
    tpu.vector_store %arg7[%swap3A_212, %swap3A_213], %convert_element_type3A_211 {strides = array<i32>} : memref<16x1xi32, #tpu.memory_space<vmem>>, vector<16x1xi32>,
    return
  }
}

module attributes {stable_mosaic.version = 14 : i64} {
  func.func @_expert_body(%arg0: i32, %arg1: memref<16xi32, #tpu.memory_space<smem>>, %arg2: memref<1xi32, #tpu.memory_space<smem>>, %arg3: memref<16xi32, #tpu.memory_space<smem>>, %arg4: memref<16xi32, #tpu.memory_space<smem>>, %arg5: memref<256x1024xf32, #tpu.memory_space<vmem>>, %arg6: memref<8x1024x1024xf32, #tpu.memory_space<hbm>>, %arg7: memref<8x1024x1024xf32, #tpu.memory_space<hbm>>, %arg8: memref<8x1024x1024xf32, #tpu.memory_space<hbm>>, %arg9: memref<256x1024xf32, #tpu.memory_space<vmem>>, %arg10: memref<2x1024x1024xf32, #tpu.memory_space<vmem>>, %arg11: memref<2x1024x1024xf32, #tpu.memory_space<vmem>>, %arg12: memref<2x1024x1024xf32, #tpu.memory_space<vmem>>, %arg13: memref<2x!tpu.dma_semaphore, #tpu.memory_space<semaphore_mem>>) attributes {dimension_semantics = [#tpu.dimension_semantics<arbitrary>], iteration_bounds = array<i64: 15>, scalar_prefetch = 4 : i64, scratch_operands = 4 : i64, tpu.core_type = #tpu.core_type<tc>, window_params = [{transform_indices = @transform_0, window_bounds = array<i64: 256, 1024>}, {}, {}, {}, {transform_indices = @transform_4, window_bounds = array<i64: 256, 1024>}]} {
    %get3A = arith.constant 0 : index
    %get3A_0 = memref.load %arg2[%get3A] : memref<1xi32, #tpu.memory_space<smem>>
    %lt3A = arith.cmpi slt, %arg0, %get3A_0 : i32
    %get3A_1 = arith.index_cast %arg0 : i32 to index
    %get3A_2 = memref.load %arg1[%get3A_1] : memref<16xi32, #tpu.memory_space<smem>>
    %eq3A = arith.constant 0 : i32
    %eq3A_3 = arith.cmpi eq, %arg0, %eq3A : i32
    %sub3A = arith.constant 1 : i32
    %sub3A_4 = arith.subi %arg0, %sub3A : i32
    %max3A = arith.constant 0 : i32
    %max3A_5 = arith.maxsi %sub3A_4, %max3A : i32
    %get3A_6 = arith.index_cast %max3A_5 : i32 to index
    %get3A_7 = memref.load %arg1[%get3A_6] : memref<16xi32, #tpu.memory_space<smem>>
    %ne3A = arith.cmpi ne, %get3A_2, %get3A_7 : i32
    %or3A = arith.ori %eq3A_3, %ne3A : i1
    %and3A = arith.andi %lt3A, %or3A : i1
    %get3A_8 = arith.index_cast %arg0 : i32 to index
    %get3A_9 = memref.load %arg3[%get3A_8] : memref<16xi32, #tpu.memory_space<smem>>
    %get3A_10 = arith.index_cast %arg0 : i32 to index
    %get3A_11 = memref.load %arg4[%get3A_10] : memref<16xi32, #tpu.memory_space<smem>>
    %eq3A_12 = arith.constant 0 : i32
    %eq3A_13 = arith.cmpi eq, %arg0, %eq3A_12 : i32
    %convert_element_type3A = arith.extui %eq3A_13 : i1 to i32
    %cond3A = arith.constant 0 : i32
    %cond3A_14 = arith.cmpi ne, %convert_element_type3A, %cond3A : i32
    scf.if %cond3A_14 {
      %dma_start3A = arith.constant 0 : i32
      %dma_start3A_27 = arith.constant 0 : i32
      %dma_start3A_28 = tpu.memref_slice %arg13[%dma_start3A_27] : memref<2x!tpu.dma_semaphore, #tpu.memory_space<semaphore_mem>> -> memref<1x!tpu.dma_semaphore, #tpu.memory_space<semaphore_mem>>
      %dma_start3A_29 = tpu.memref_squeeze %dma_start3A_28 : memref<1x!tpu.dma_semaphore, #tpu.memory_space<semaphore_mem>> -> memref<!tpu.dma_semaphore, #tpu.memory_space<semaphore_mem>>
      %dma_start3A_30 = arith.constant 0 : i32
      %dma_start3A_31 = arith.constant 0 : i32
      %dma_start3A_32 = tpu.memref_slice %arg10[%dma_start3A, %dma_start3A_30, %dma_start3A_31] : memref<2x1024x1024xf32, #tpu.memory_space<vmem>> -> memref<1x1024x1024xf32, #tpu.memory_space<vmem>>
      %dma_start3A_33 = tpu.memref_squeeze %dma_start3A_32 : memref<1x1024x1024xf32, #tpu.memory_space<vmem>> -> memref<1024x1024xf32, #tpu.memory_space<vmem>>
      %dma_start3A_34 = arith.constant 0 : i32
      %dma_start3A_35 = arith.constant 0 : i32
      %dma_start3A_36 = tpu.memref_slice %arg6[%get3A_2, %dma_start3A_34, %dma_start3A_35] : memref<8x1024x1024xf32, #tpu.memory_space<hbm>> -> memref<1x1024x1024xf32, #tpu.memory_space<hbm>>
      %dma_start3A_37 = tpu.memref_squeeze %dma_start3A_36 : memref<1x1024x1024xf32, #tpu.memory_space<hbm>> -> memref<1024x1024xf32, #tpu.memory_space<hbm>>
      tpu.enqueue_dma source(%dma_start3A_37 : memref<1024x1024xf32, #tpu.memory_space<hbm>>) target(%dma_start3A_33 : memref<1024x1024xf32, #tpu.memory_space<vmem>>) target_semaphore(%dma_start3A_29 : memref<!tpu.dma_semaphore, #tpu.memory_space<semaphore_mem>>)
      %dma_start3A_38 = arith.constant 0 : i32
      %dma_start3A_39 = arith.constant 0 : i32
      %dma_start3A_40 = tpu.memref_slice %arg13[%dma_start3A_39] : memref<2x!tpu.dma_semaphore, #tpu.memory_space<semaphore_mem>> -> memref<1x!tpu.dma_semaphore, #tpu.memory_space<semaphore_mem>>
      %dma_start3A_41 = tpu.memref_squeeze %dma_start3A_40 : memref<1x!tpu.dma_semaphore, #tpu.memory_space<semaphore_mem>> -> memref<!tpu.dma_semaphore, #tpu.memory_space<semaphore_mem>>
      %dma_start3A_42 = arith.constant 0 : i32
      %dma_start3A_43 = arith.constant 0 : i32
      %dma_start3A_44 = tpu.memref_slice %arg11[%dma_start3A_38, %dma_start3A_42, %dma_start3A_43] : memref<2x1024x1024xf32, #tpu.memory_space<vmem>> -> memref<1x1024x1024xf32, #tpu.memory_space<vmem>>
      %dma_start3A_45 = tpu.memref_squeeze %dma_start3A_44 : memref<1x1024x1024xf32, #tpu.memory_space<vmem>> -> memref<1024x1024xf32, #tpu.memory_space<vmem>>
      %dma_start3A_46 = arith.constant 0 : i32
      %dma_start3A_47 = arith.constant 0 : i32
      %dma_start3A_48 = tpu.memref_slice %arg7[%get3A_2, %dma_start3A_46, %dma_start3A_47] : memref<8x1024x1024xf32, #tpu.memory_space<hbm>> -> memref<1x1024x1024xf32, #tpu.memory_space<hbm>>
      %dma_start3A_49 = tpu.memref_squeeze %dma_start3A_48 : memref<1x1024x1024xf32, #tpu.memory_space<hbm>> -> memref<1024x1024xf32, #tpu.memory_space<hbm>>
      tpu.enqueue_dma source(%dma_start3A_49 : memref<1024x1024xf32, #tpu.memory_space<hbm>>) target(%dma_start3A_45 : memref<1024x1024xf32, #tpu.memory_space<vmem>>) target_semaphore(%dma_start3A_41 : memref<!tpu.dma_semaphore, #tpu.memory_space<semaphore_mem>>)
      %dma_start3A_50 = arith.constant 0 : i32
      %dma_start3A_51 = arith.constant 0 : i32
      %dma_start3A_52 = tpu.memref_slice %arg13[%dma_start3A_51] : memref<2x!tpu.dma_semaphore, #tpu.memory_space<semaphore_mem>> -> memref<1x!tpu.dma_semaphore, #tpu.memory_space<semaphore_mem>>
      %dma_start3A_53 = tpu.memref_squeeze %dma_start3A_52 : memref<1x!tpu.dma_semaphore, #tpu.memory_space<semaphore_mem>> -> memref<!tpu.dma_semaphore, #tpu.memory_space<semaphore_mem>>
      %dma_start3A_54 = arith.constant 0 : i32
      %dma_start3A_55 = arith.constant 0 : i32
      %dma_start3A_56 = tpu.memref_slice %arg12[%dma_start3A_50, %dma_start3A_54, %dma_start3A_55] : memref<2x1024x1024xf32, #tpu.memory_space<vmem>> -> memref<1x1024x1024xf32, #tpu.memory_space<vmem>>
      %dma_start3A_57 = tpu.memref_squeeze %dma_start3A_56 : memref<1x1024x1024xf32, #tpu.memory_space<vmem>> -> memref<1024x1024xf32, #tpu.memory_space<vmem>>
      %dma_start3A_58 = arith.constant 0 : i32
      %dma_start3A_59 = arith.constant 0 : i32
      %dma_start3A_60 = tpu.memref_slice %arg8[%get3A_2, %dma_start3A_58, %dma_start3A_59] : memref<8x1024x1024xf32, #tpu.memory_space<hbm>> -> memref<1x1024x1024xf32, #tpu.memory_space<hbm>>
      %dma_start3A_61 = tpu.memref_squeeze %dma_start3A_60 : memref<1x1024x1024xf32, #tpu.memory_space<hbm>> -> memref<1024x1024xf32, #tpu.memory_space<hbm>>
      tpu.enqueue_dma source(%dma_start3A_61 : memref<1024x1024xf32, #tpu.memory_space<hbm>>) target(%dma_start3A_57 : memref<1024x1024xf32, #tpu.memory_space<vmem>>) target_semaphore(%dma_start3A_53 : memref<!tpu.dma_semaphore, #tpu.memory_space<semaphore_mem>>)
    } else {
    }
    %lt3A_15 = arith.constant 8 : i32
    %lt3A_16 = arith.cmpi slt, %get3A_11, %lt3A_15 : i32
    %and3A_17 = arith.andi %and3A, %lt3A_16 : i1
    %convert_element_type3A_18 = arith.extui %and3A_17 : i1 to i32
    %cond3A_19 = arith.constant 0 : i32
    %cond3A_20 = arith.cmpi ne, %convert_element_type3A_18, %cond3A_19 : i32
    scf.if %cond3A_20 {
      %eq3A_27 = arith.constant 0 : i32
      %eq3A_28 = arith.cmpi eq, %get3A_9, %eq3A_27 : i32
      %convert_element_type3A_29 = arith.extui %eq3A_28 : i1 to i32
      %cond3A_30 = arith.constant 0 : i32
      %cond3A_31 = arith.cmpi ne, %convert_element_type3A_29, %cond3A_30 : i32
      scf.if %cond3A_31 {
        %dma_start3A = arith.constant 1 : i32
        %dma_start3A_37 = arith.constant 1 : i32
        %dma_start3A_38 = tpu.memref_slice %arg13[%dma_start3A_37] : memref<2x!tpu.dma_semaphore, #tpu.memory_space<semaphore_mem>> -> memref<1x!tpu.dma_semaphore, #tpu.memory_space<semaphore_mem>>
        %dma_start3A_39 = tpu.memref_squeeze %dma_start3A_38 : memref<1x!tpu.dma_semaphore, #tpu.memory_space<semaphore_mem>> -> memref<!tpu.dma_semaphore, #tpu.memory_space<semaphore_mem>>
        %dma_start3A_40 = arith.constant 0 : i32
        %dma_start3A_41 = arith.constant 0 : i32
        %dma_start3A_42 = tpu.memref_slice %arg10[%dma_start3A, %dma_start3A_40, %dma_start3A_41] : memref<2x1024x1024xf32, #tpu.memory_space<vmem>> -> memref<1x1024x1024xf32, #tpu.memory_space<vmem>>
        %dma_start3A_43 = tpu.memref_squeeze %dma_start3A_42 : memref<1x1024x1024xf32, #tpu.memory_space<vmem>> -> memref<1024x1024xf32, #tpu.memory_space<vmem>>
        %dma_start3A_44 = arith.constant 0 : i32
        %dma_start3A_45 = arith.constant 0 : i32
        %dma_start3A_46 = tpu.memref_slice %arg6[%get3A_11, %dma_start3A_44, %dma_start3A_45] : memref<8x1024x1024xf32, #tpu.memory_space<hbm>> -> memref<1x1024x1024xf32, #tpu.memory_space<hbm>>
        %dma_start3A_47 = tpu.memref_squeeze %dma_start3A_46 : memref<1x1024x1024xf32, #tpu.memory_space<hbm>> -> memref<1024x1024xf32, #tpu.memory_space<hbm>>
        tpu.enqueue_dma source(%dma_start3A_47 : memref<1024x1024xf32, #tpu.memory_space<hbm>>) target(%dma_start3A_43 : memref<1024x1024xf32, #tpu.memory_space<vmem>>) target_semaphore(%dma_start3A_39 : memref<!tpu.dma_semaphore, #tpu.memory_space<semaphore_mem>>)
        %dma_start3A_48 = arith.constant 1 : i32
        %dma_start3A_49 = arith.constant 1 : i32
        %dma_start3A_50 = tpu.memref_slice %arg13[%dma_start3A_49] : memref<2x!tpu.dma_semaphore, #tpu.memory_space<semaphore_mem>> -> memref<1x!tpu.dma_semaphore, #tpu.memory_space<semaphore_mem>>
        %dma_start3A_51 = tpu.memref_squeeze %dma_start3A_50 : memref<1x!tpu.dma_semaphore, #tpu.memory_space<semaphore_mem>> -> memref<!tpu.dma_semaphore, #tpu.memory_space<semaphore_mem>>
        %dma_start3A_52 = arith.constant 0 : i32
        %dma_start3A_53 = arith.constant 0 : i32
        %dma_start3A_54 = tpu.memref_slice %arg11[%dma_start3A_48, %dma_start3A_52, %dma_start3A_53] : memref<2x1024x1024xf32, #tpu.memory_space<vmem>> -> memref<1x1024x1024xf32, #tpu.memory_space<vmem>>
        %dma_start3A_55 = tpu.memref_squeeze %dma_start3A_54 : memref<1x1024x1024xf32, #tpu.memory_space<vmem>> -> memref<1024x1024xf32, #tpu.memory_space<vmem>>
        %dma_start3A_56 = arith.constant 0 : i32
        %dma_start3A_57 = arith.constant 0 : i32
        %dma_start3A_58 = tpu.memref_slice %arg7[%get3A_11, %dma_start3A_56, %dma_start3A_57] : memref<8x1024x1024xf32, #tpu.memory_space<hbm>> -> memref<1x1024x1024xf32, #tpu.memory_space<hbm>>
        %dma_start3A_59 = tpu.memref_squeeze %dma_start3A_58 : memref<1x1024x1024xf32, #tpu.memory_space<hbm>> -> memref<1024x1024xf32, #tpu.memory_space<hbm>>
        tpu.enqueue_dma source(%dma_start3A_59 : memref<1024x1024xf32, #tpu.memory_space<hbm>>) target(%dma_start3A_55 : memref<1024x1024xf32, #tpu.memory_space<vmem>>) target_semaphore(%dma_start3A_51 : memref<!tpu.dma_semaphore, #tpu.memory_space<semaphore_mem>>)
        %dma_start3A_60 = arith.constant 1 : i32
        %dma_start3A_61 = arith.constant 1 : i32
        %dma_start3A_62 = tpu.memref_slice %arg13[%dma_start3A_61] : memref<2x!tpu.dma_semaphore, #tpu.memory_space<semaphore_mem>> -> memref<1x!tpu.dma_semaphore, #tpu.memory_space<semaphore_mem>>
        %dma_start3A_63 = tpu.memref_squeeze %dma_start3A_62 : memref<1x!tpu.dma_semaphore, #tpu.memory_space<semaphore_mem>> -> memref<!tpu.dma_semaphore, #tpu.memory_space<semaphore_mem>>
        %dma_start3A_64 = arith.constant 0 : i32
        %dma_start3A_65 = arith.constant 0 : i32
        %dma_start3A_66 = tpu.memref_slice %arg12[%dma_start3A_60, %dma_start3A_64, %dma_start3A_65] : memref<2x1024x1024xf32, #tpu.memory_space<vmem>> -> memref<1x1024x1024xf32, #tpu.memory_space<vmem>>
        %dma_start3A_67 = tpu.memref_squeeze %dma_start3A_66 : memref<1x1024x1024xf32, #tpu.memory_space<vmem>> -> memref<1024x1024xf32, #tpu.memory_space<vmem>>
        %dma_start3A_68 = arith.constant 0 : i32
        %dma_start3A_69 = arith.constant 0 : i32
        %dma_start3A_70 = tpu.memref_slice %arg8[%get3A_11, %dma_start3A_68, %dma_start3A_69] : memref<8x1024x1024xf32, #tpu.memory_space<hbm>> -> memref<1x1024x1024xf32, #tpu.memory_space<hbm>>
        %dma_start3A_71 = tpu.memref_squeeze %dma_start3A_70 : memref<1x1024x1024xf32, #tpu.memory_space<hbm>> -> memref<1024x1024xf32, #tpu.memory_space<hbm>>
        tpu.enqueue_dma source(%dma_start3A_71 : memref<1024x1024xf32, #tpu.memory_space<hbm>>) target(%dma_start3A_67 : memref<1024x1024xf32, #tpu.memory_space<vmem>>) target_semaphore(%dma_start3A_63 : memref<!tpu.dma_semaphore, #tpu.memory_space<semaphore_mem>>)
      } else {
      }
      %eq3A_32 = arith.constant 1 : i32
      %eq3A_33 = arith.cmpi eq, %get3A_9, %eq3A_32 : i32
      %convert_element_type3A_34 = arith.extui %eq3A_33 : i1 to i32
      %cond3A_35 = arith.constant 0 : i32
      %cond3A_36 = arith.cmpi ne, %convert_element_type3A_34, %cond3A_35 : i32
      scf.if %cond3A_36 {
        %dma_start3A = arith.constant 0 : i32
        %dma_start3A_37 = arith.constant 0 : i32
        %dma_start3A_38 = tpu.memref_slice %arg13[%dma_start3A_37] : memref<2x!tpu.dma_semaphore, #tpu.memory_space<semaphore_mem>> -> memref<1x!tpu.dma_semaphore, #tpu.memory_space<semaphore_mem>>
        %dma_start3A_39 = tpu.memref_squeeze %dma_start3A_38 : memref<1x!tpu.dma_semaphore, #tpu.memory_space<semaphore_mem>> -> memref<!tpu.dma_semaphore, #tpu.memory_space<semaphore_mem>>
        %dma_start3A_40 = arith.constant 0 : i32
        %dma_start3A_41 = arith.constant 0 : i32
        %dma_start3A_42 = tpu.memref_slice %arg10[%dma_start3A, %dma_start3A_40, %dma_start3A_41] : memref<2x1024x1024xf32, #tpu.memory_space<vmem>> -> memref<1x1024x1024xf32, #tpu.memory_space<vmem>>
        %dma_start3A_43 = tpu.memref_squeeze %dma_start3A_42 : memref<1x1024x1024xf32, #tpu.memory_space<vmem>> -> memref<1024x1024xf32, #tpu.memory_space<vmem>>
        %dma_start3A_44 = arith.constant 0 : i32
        %dma_start3A_45 = arith.constant 0 : i32
        %dma_start3A_46 = tpu.memref_slice %arg6[%get3A_11, %dma_start3A_44, %dma_start3A_45] : memref<8x1024x1024xf32, #tpu.memory_space<hbm>> -> memref<1x1024x1024xf32, #tpu.memory_space<hbm>>
        %dma_start3A_47 = tpu.memref_squeeze %dma_start3A_46 : memref<1x1024x1024xf32, #tpu.memory_space<hbm>> -> memref<1024x1024xf32, #tpu.memory_space<hbm>>
        tpu.enqueue_dma source(%dma_start3A_47 : memref<1024x1024xf32, #tpu.memory_space<hbm>>) target(%dma_start3A_43 : memref<1024x1024xf32, #tpu.memory_space<vmem>>) target_semaphore(%dma_start3A_39 : memref<!tpu.dma_semaphore, #tpu.memory_space<semaphore_mem>>)
        %dma_start3A_48 = arith.constant 0 : i32
        %dma_start3A_49 = arith.constant 0 : i32
        %dma_start3A_50 = tpu.memref_slice %arg13[%dma_start3A_49] : memref<2x!tpu.dma_semaphore, #tpu.memory_space<semaphore_mem>> -> memref<1x!tpu.dma_semaphore, #tpu.memory_space<semaphore_mem>>
        %dma_start3A_51 = tpu.memref_squeeze %dma_start3A_50 : memref<1x!tpu.dma_semaphore, #tpu.memory_space<semaphore_mem>> -> memref<!tpu.dma_semaphore, #tpu.memory_space<semaphore_mem>>
        %dma_start3A_52 = arith.constant 0 : i32
        %dma_start3A_53 = arith.constant 0 : i32
        %dma_start3A_54 = tpu.memref_slice %arg11[%dma_start3A_48, %dma_start3A_52, %dma_start3A_53] : memref<2x1024x1024xf32, #tpu.memory_space<vmem>> -> memref<1x1024x1024xf32, #tpu.memory_space<vmem>>
        %dma_start3A_55 = tpu.memref_squeeze %dma_start3A_54 : memref<1x1024x1024xf32, #tpu.memory_space<vmem>> -> memref<1024x1024xf32, #tpu.memory_space<vmem>>
        %dma_start3A_56 = arith.constant 0 : i32
        %dma_start3A_57 = arith.constant 0 : i32
        %dma_start3A_58 = tpu.memref_slice %arg7[%get3A_11, %dma_start3A_56, %dma_start3A_57] : memref<8x1024x1024xf32, #tpu.memory_space<hbm>> -> memref<1x1024x1024xf32, #tpu.memory_space<hbm>>
        %dma_start3A_59 = tpu.memref_squeeze %dma_start3A_58 : memref<1x1024x1024xf32, #tpu.memory_space<hbm>> -> memref<1024x1024xf32, #tpu.memory_space<hbm>>
        tpu.enqueue_dma source(%dma_start3A_59 : memref<1024x1024xf32, #tpu.memory_space<hbm>>) target(%dma_start3A_55 : memref<1024x1024xf32, #tpu.memory_space<vmem>>) target_semaphore(%dma_start3A_51 : memref<!tpu.dma_semaphore, #tpu.memory_space<semaphore_mem>>)
        %dma_start3A_60 = arith.constant 0 : i32
        %dma_start3A_61 = arith.constant 0 : i32
        %dma_start3A_62 = tpu.memref_slice %arg13[%dma_start3A_61] : memref<2x!tpu.dma_semaphore, #tpu.memory_space<semaphore_mem>> -> memref<1x!tpu.dma_semaphore, #tpu.memory_space<semaphore_mem>>
        %dma_start3A_63 = tpu.memref_squeeze %dma_start3A_62 : memref<1x!tpu.dma_semaphore, #tpu.memory_space<semaphore_mem>> -> memref<!tpu.dma_semaphore, #tpu.memory_space<semaphore_mem>>
        %dma_start3A_64 = arith.constant 0 : i32
        %dma_start3A_65 = arith.constant 0 : i32
        %dma_start3A_66 = tpu.memref_slice %arg12[%dma_start3A_60, %dma_start3A_64, %dma_start3A_65] : memref<2x1024x1024xf32, #tpu.memory_space<vmem>> -> memref<1x1024x1024xf32, #tpu.memory_space<vmem>>
        %dma_start3A_67 = tpu.memref_squeeze %dma_start3A_66 : memref<1x1024x1024xf32, #tpu.memory_space<vmem>> -> memref<1024x1024xf32, #tpu.memory_space<vmem>>
        %dma_start3A_68 = arith.constant 0 : i32
        %dma_start3A_69 = arith.constant 0 : i32
        %dma_start3A_70 = tpu.memref_slice %arg8[%get3A_11, %dma_start3A_68, %dma_start3A_69] : memref<8x1024x1024xf32, #tpu.memory_space<hbm>> -> memref<1x1024x1024xf32, #tpu.memory_space<hbm>>
        %dma_start3A_71 = tpu.memref_squeeze %dma_start3A_70 : memref<1x1024x1024xf32, #tpu.memory_space<hbm>> -> memref<1024x1024xf32, #tpu.memory_space<hbm>>
        tpu.enqueue_dma source(%dma_start3A_71 : memref<1024x1024xf32, #tpu.memory_space<hbm>>) target(%dma_start3A_67 : memref<1024x1024xf32, #tpu.memory_space<vmem>>) target_semaphore(%dma_start3A_63 : memref<!tpu.dma_semaphore, #tpu.memory_space<semaphore_mem>>)
      } else {
      }
    } else {
    }
    %convert_element_type3A_21 = arith.extui %and3A : i1 to i32
    %cond3A_22 = arith.constant 0 : i32
    %cond3A_23 = arith.cmpi ne, %convert_element_type3A_21, %cond3A_22 : i32
    scf.if %cond3A_23 {
      %eq3A_27 = arith.constant 0 : i32
      %eq3A_28 = arith.cmpi eq, %get3A_9, %eq3A_27 : i32
      %convert_element_type3A_29 = arith.extui %eq3A_28 : i1 to i32
      %cond3A_30 = arith.constant 0 : i32
      %cond3A_31 = arith.cmpi ne, %convert_element_type3A_29, %cond3A_30 : i32
      scf.if %cond3A_31 {
        %dma_wait3A = arith.constant 0 : i32
        %dma_wait3A_37 = arith.constant 0 : i32
        %dma_wait3A_38 = tpu.memref_slice %arg13[%dma_wait3A_37] : memref<2x!tpu.dma_semaphore, #tpu.memory_space<semaphore_mem>> -> memref<1x!tpu.dma_semaphore, #tpu.memory_space<semaphore_mem>>
        %dma_wait3A_39 = tpu.memref_squeeze %dma_wait3A_38 : memref<1x!tpu.dma_semaphore, #tpu.memory_space<semaphore_mem>> -> memref<!tpu.dma_semaphore, #tpu.memory_space<semaphore_mem>>
        %dma_wait3A_40 = arith.constant 0 : i32
        %dma_wait3A_41 = arith.constant 0 : i32
        %dma_wait3A_42 = tpu.memref_slice %arg10[%dma_wait3A, %dma_wait3A_40, %dma_wait3A_41] : memref<2x1024x1024xf32, #tpu.memory_space<vmem>> -> memref<1x1024x1024xf32, #tpu.memory_space<vmem>>
        %dma_wait3A_43 = tpu.memref_squeeze %dma_wait3A_42 : memref<1x1024x1024xf32, #tpu.memory_space<vmem>> -> memref<1024x1024xf32, #tpu.memory_space<vmem>>
        %dma_wait3A_44 = arith.constant 0 : i32
        %dma_wait3A_45 = arith.constant 0 : i32
        %dma_wait3A_46 = tpu.memref_slice %arg6[%get3A_2, %dma_wait3A_44, %dma_wait3A_45] : memref<8x1024x1024xf32, #tpu.memory_space<hbm>> -> memref<1x1024x1024xf32, #tpu.memory_space<hbm>>
        %dma_wait3A_47 = tpu.memref_squeeze %dma_wait3A_46 : memref<1x1024x1024xf32, #tpu.memory_space<hbm>> -> memref<1024x1024xf32, #tpu.memory_space<hbm>>
        tpu.wait_dma2 semaphore(%dma_wait3A_39 : memref<!tpu.dma_semaphore, #tpu.memory_space<semaphore_mem>>) src(%dma_wait3A_47 : memref<1024x1024xf32, #tpu.memory_space<hbm>>) dst(%dma_wait3A_43 : memref<1024x1024xf32, #tpu.memory_space<vmem>>)
        %dma_wait3A_48 = arith.constant 0 : i32
        %dma_wait3A_49 = arith.constant 0 : i32
        %dma_wait3A_50 = tpu.memref_slice %arg13[%dma_wait3A_49] : memref<2x!tpu.dma_semaphore, #tpu.memory_space<semaphore_mem>> -> memref<1x!tpu.dma_semaphore, #tpu.memory_space<semaphore_mem>>
        %dma_wait3A_51 = tpu.memref_squeeze %dma_wait3A_50 : memref<1x!tpu.dma_semaphore, #tpu.memory_space<semaphore_mem>> -> memref<!tpu.dma_semaphore, #tpu.memory_space<semaphore_mem>>
        %dma_wait3A_52 = arith.constant 0 : i32
        %dma_wait3A_53 = arith.constant 0 : i32
        %dma_wait3A_54 = tpu.memref_slice %arg11[%dma_wait3A_48, %dma_wait3A_52, %dma_wait3A_53] : memref<2x1024x1024xf32, #tpu.memory_space<vmem>> -> memref<1x1024x1024xf32, #tpu.memory_space<vmem>>
        %dma_wait3A_55 = tpu.memref_squeeze %dma_wait3A_54 : memref<1x1024x1024xf32, #tpu.memory_space<vmem>> -> memref<1024x1024xf32, #tpu.memory_space<vmem>>
        %dma_wait3A_56 = arith.constant 0 : i32
        %dma_wait3A_57 = arith.constant 0 : i32
        %dma_wait3A_58 = tpu.memref_slice %arg7[%get3A_2, %dma_wait3A_56, %dma_wait3A_57] : memref<8x1024x1024xf32, #tpu.memory_space<hbm>> -> memref<1x1024x1024xf32, #tpu.memory_space<hbm>>
        %dma_wait3A_59 = tpu.memref_squeeze %dma_wait3A_58 : memref<1x1024x1024xf32, #tpu.memory_space<hbm>> -> memref<1024x1024xf32, #tpu.memory_space<hbm>>
        tpu.wait_dma2 semaphore(%dma_wait3A_51 : memref<!tpu.dma_semaphore, #tpu.memory_space<semaphore_mem>>) src(%dma_wait3A_59 : memref<1024x1024xf32, #tpu.memory_space<hbm>>) dst(%dma_wait3A_55 : memref<1024x1024xf32, #tpu.memory_space<vmem>>)
        %dma_wait3A_60 = arith.constant 0 : i32
        %dma_wait3A_61 = arith.constant 0 : i32
        %dma_wait3A_62 = tpu.memref_slice %arg13[%dma_wait3A_61] : memref<2x!tpu.dma_semaphore, #tpu.memory_space<semaphore_mem>> -> memref<1x!tpu.dma_semaphore, #tpu.memory_space<semaphore_mem>>
        %dma_wait3A_63 = tpu.memref_squeeze %dma_wait3A_62 : memref<1x!tpu.dma_semaphore, #tpu.memory_space<semaphore_mem>> -> memref<!tpu.dma_semaphore, #tpu.memory_space<semaphore_mem>>
        %dma_wait3A_64 = arith.constant 0 : i32
        %dma_wait3A_65 = arith.constant 0 : i32
        %dma_wait3A_66 = tpu.memref_slice %arg12[%dma_wait3A_60, %dma_wait3A_64, %dma_wait3A_65] : memref<2x1024x1024xf32, #tpu.memory_space<vmem>> -> memref<1x1024x1024xf32, #tpu.memory_space<vmem>>
        %dma_wait3A_67 = tpu.memref_squeeze %dma_wait3A_66 : memref<1x1024x1024xf32, #tpu.memory_space<vmem>> -> memref<1024x1024xf32, #tpu.memory_space<vmem>>
        %dma_wait3A_68 = arith.constant 0 : i32
        %dma_wait3A_69 = arith.constant 0 : i32
        %dma_wait3A_70 = tpu.memref_slice %arg8[%get3A_2, %dma_wait3A_68, %dma_wait3A_69] : memref<8x1024x1024xf32, #tpu.memory_space<hbm>> -> memref<1x1024x1024xf32, #tpu.memory_space<hbm>>
        %dma_wait3A_71 = tpu.memref_squeeze %dma_wait3A_70 : memref<1x1024x1024xf32, #tpu.memory_space<hbm>> -> memref<1024x1024xf32, #tpu.memory_space<hbm>>
        tpu.wait_dma2 semaphore(%dma_wait3A_63 : memref<!tpu.dma_semaphore, #tpu.memory_space<semaphore_mem>>) src(%dma_wait3A_71 : memref<1024x1024xf32, #tpu.memory_space<hbm>>) dst(%dma_wait3A_67 : memref<1024x1024xf32, #tpu.memory_space<vmem>>)
      } else {
      }
      %eq3A_32 = arith.constant 1 : i32
      %eq3A_33 = arith.cmpi eq, %get3A_9, %eq3A_32 : i32
      %convert_element_type3A_34 = arith.extui %eq3A_33 : i1 to i32
      %cond3A_35 = arith.constant 0 : i32
      %cond3A_36 = arith.cmpi ne, %convert_element_type3A_34, %cond3A_35 : i32
      scf.if %cond3A_36 {
        %dma_wait3A = arith.constant 1 : i32
        %dma_wait3A_37 = arith.constant 1 : i32
        %dma_wait3A_38 = tpu.memref_slice %arg13[%dma_wait3A_37] : memref<2x!tpu.dma_semaphore, #tpu.memory_space<semaphore_mem>> -> memref<1x!tpu.dma_semaphore, #tpu.memory_space<semaphore_mem>>
        %dma_wait3A_39 = tpu.memref_squeeze %dma_wait3A_38 : memref<1x!tpu.dma_semaphore, #tpu.memory_space<semaphore_mem>> -> memref<!tpu.dma_semaphore, #tpu.memory_space<semaphore_mem>>
        %dma_wait3A_40 = arith.constant 0 : i32
        %dma_wait3A_41 = arith.constant 0 : i32
        %dma_wait3A_42 = tpu.memref_slice %arg10[%dma_wait3A, %dma_wait3A_40, %dma_wait3A_41] : memref<2x1024x1024xf32, #tpu.memory_space<vmem>> -> memref<1x1024x1024xf32, #tpu.memory_space<vmem>>
        %dma_wait3A_43 = tpu.memref_squeeze %dma_wait3A_42 : memref<1x1024x1024xf32, #tpu.memory_space<vmem>> -> memref<1024x1024xf32, #tpu.memory_space<vmem>>
        %dma_wait3A_44 = arith.constant 0 : i32
        %dma_wait3A_45 = arith.constant 0 : i32
        %dma_wait3A_46 = tpu.memref_slice %arg6[%get3A_2, %dma_wait3A_44, %dma_wait3A_45] : memref<8x1024x1024xf32, #tpu.memory_space<hbm>> -> memref<1x1024x1024xf32, #tpu.memory_space<hbm>>
        %dma_wait3A_47 = tpu.memref_squeeze %dma_wait3A_46 : memref<1x1024x1024xf32, #tpu.memory_space<hbm>> -> memref<1024x1024xf32, #tpu.memory_space<hbm>>
        tpu.wait_dma2 semaphore(%dma_wait3A_39 : memref<!tpu.dma_semaphore, #tpu.memory_space<semaphore_mem>>) src(%dma_wait3A_47 : memref<1024x1024xf32, #tpu.memory_space<hbm>>) dst(%dma_wait3A_43 : memref<1024x1024xf32, #tpu.memory_space<vmem>>)
        %dma_wait3A_48 = arith.constant 1 : i32
        %dma_wait3A_49 = arith.constant 1 : i32
        %dma_wait3A_50 = tpu.memref_slice %arg13[%dma_wait3A_49] : memref<2x!tpu.dma_semaphore, #tpu.memory_space<semaphore_mem>> -> memref<1x!tpu.dma_semaphore, #tpu.memory_space<semaphore_mem>>
        %dma_wait3A_51 = tpu.memref_squeeze %dma_wait3A_50 : memref<1x!tpu.dma_semaphore, #tpu.memory_space<semaphore_mem>> -> memref<!tpu.dma_semaphore, #tpu.memory_space<semaphore_mem>>
        %dma_wait3A_52 = arith.constant 0 : i32
        %dma_wait3A_53 = arith.constant 0 : i32
        %dma_wait3A_54 = tpu.memref_slice %arg11[%dma_wait3A_48, %dma_wait3A_52, %dma_wait3A_53] : memref<2x1024x1024xf32, #tpu.memory_space<vmem>> -> memref<1x1024x1024xf32, #tpu.memory_space<vmem>>
        %dma_wait3A_55 = tpu.memref_squeeze %dma_wait3A_54 : memref<1x1024x1024xf32, #tpu.memory_space<vmem>> -> memref<1024x1024xf32, #tpu.memory_space<vmem>>
        %dma_wait3A_56 = arith.constant 0 : i32
        %dma_wait3A_57 = arith.constant 0 : i32
        %dma_wait3A_58 = tpu.memref_slice %arg7[%get3A_2, %dma_wait3A_56, %dma_wait3A_57] : memref<8x1024x1024xf32, #tpu.memory_space<hbm>> -> memref<1x1024x1024xf32, #tpu.memory_space<hbm>>
        %dma_wait3A_59 = tpu.memref_squeeze %dma_wait3A_58 : memref<1x1024x1024xf32, #tpu.memory_space<hbm>> -> memref<1024x1024xf32, #tpu.memory_space<hbm>>
        tpu.wait_dma2 semaphore(%dma_wait3A_51 : memref<!tpu.dma_semaphore, #tpu.memory_space<semaphore_mem>>) src(%dma_wait3A_59 : memref<1024x1024xf32, #tpu.memory_space<hbm>>) dst(%dma_wait3A_55 : memref<1024x1024xf32, #tpu.memory_space<vmem>>)
        %dma_wait3A_60 = arith.constant 1 : i32
        %dma_wait3A_61 = arith.constant 1 : i32
        %dma_wait3A_62 = tpu.memref_slice %arg13[%dma_wait3A_61] : memref<2x!tpu.dma_semaphore, #tpu.memory_space<semaphore_mem>> -> memref<1x!tpu.dma_semaphore, #tpu.memory_space<semaphore_mem>>
        %dma_wait3A_63 = tpu.memref_squeeze %dma_wait3A_62 : memref<1x!tpu.dma_semaphore, #tpu.memory_space<semaphore_mem>> -> memref<!tpu.dma_semaphore, #tpu.memory_space<semaphore_mem>>
        %dma_wait3A_64 = arith.constant 0 : i32
        %dma_wait3A_65 = arith.constant 0 : i32
        %dma_wait3A_66 = tpu.memref_slice %arg12[%dma_wait3A_60, %dma_wait3A_64, %dma_wait3A_65] : memref<2x1024x1024xf32, #tpu.memory_space<vmem>> -> memref<1x1024x1024xf32, #tpu.memory_space<vmem>>
        %dma_wait3A_67 = tpu.memref_squeeze %dma_wait3A_66 : memref<1x1024x1024xf32, #tpu.memory_space<vmem>> -> memref<1024x1024xf32, #tpu.memory_space<vmem>>
        %dma_wait3A_68 = arith.constant 0 : i32
        %dma_wait3A_69 = arith.constant 0 : i32
        %dma_wait3A_70 = tpu.memref_slice %arg8[%get3A_2, %dma_wait3A_68, %dma_wait3A_69] : memref<8x1024x1024xf32, #tpu.memory_space<hbm>> -> memref<1x1024x1024xf32, #tpu.memory_space<hbm>>
        %dma_wait3A_71 = tpu.memref_squeeze %dma_wait3A_70 : memref<1x1024x1024xf32, #tpu.memory_space<hbm>> -> memref<1024x1024xf32, #tpu.memory_space<hbm>>
        tpu.wait_dma2 semaphore(%dma_wait3A_63 : memref<!tpu.dma_semaphore, #tpu.memory_space<semaphore_mem>>) src(%dma_wait3A_71 : memref<1024x1024xf32, #tpu.memory_space<hbm>>) dst(%dma_wait3A_67 : memref<1024x1024xf32, #tpu.memory_space<vmem>>)
      } else {
      }
    } else {
    }
    %convert_element_type3A_24 = arith.extui %lt3A : i1 to i32
    %cond3A_25 = arith.constant 0 : i32
    %cond3A_26 = arith.cmpi ne, %convert_element_type3A_24, %cond3A_25 : i32
    scf.if %cond3A_26 {
      %get3A_27 = arith.constant 0 : index
      %get3A_28 = arith.constant 0 : index
      %get3A_29 = vector.load %arg5[%get3A_27, %get3A_28] : memref<256x1024xf32, #tpu.memory_space<vmem>>, vector<256x1024xf32>
      %get3A_30 = arith.index_cast %get3A_9 : i32 to index
      %get3A_31 = arith.constant 0 : index
      %get3A_32 = arith.constant 0 : index
      %get3A_33 = vector.load %arg10[%get3A_30, %get3A_31, %get3A_32] : memref<2x1024x1024xf32, #tpu.memory_space<vmem>>, vector<1x1024x1024xf32>
      %get3A_34 = vector.shape_cast %get3A_33 : vector<1x1024x1024xf32> to vector<1024x1024xf32>
      %get3A_35 = arith.index_cast %get3A_9 : i32 to index
      %get3A_36 = arith.constant 0 : index
      %get3A_37 = arith.constant 0 : index
      %get3A_38 = vector.load %arg11[%get3A_35, %get3A_36, %get3A_37] : memref<2x1024x1024xf32, #tpu.memory_space<vmem>>, vector<1x1024x1024xf32>
      %get3A_39 = vector.shape_cast %get3A_38 : vector<1x1024x1024xf32> to vector<1024x1024xf32>
      %get3A_40 = arith.index_cast %get3A_9 : i32 to index
      %get3A_41 = arith.constant 0 : index
      %get3A_42 = arith.constant 0 : index
      %get3A_43 = vector.load %arg12[%get3A_40, %get3A_41, %get3A_42] : memref<2x1024x1024xf32, #tpu.memory_space<vmem>>, vector<1x1024x1024xf32>
      %get3A_44 = vector.shape_cast %get3A_43 : vector<1x1024x1024xf32> to vector<1024x1024xf32>
      %dot_general3A = arith.constant dense<0.000000e+00> : vector<256x1024xf32>
      %dot_general3A_45 = tpu.matmul %get3A_29, %get3A_34, %dot_general3A {dimension_numbers = #tpu.dot_dimension_numbers<[1], [1], [0], [0], [0, 0, 1, 0], [], []>, transpose_lhs_hint = false} : vector<256x1024xf32>, vector<1024x1024xf32>, vector<256x1024xf32> -> vector<256x1024xf32>
      %dot_general3A_46 = arith.constant dense<0.000000e+00> : vector<256x1024xf32>
      %dot_general3A_47 = tpu.matmul %get3A_29, %get3A_39, %dot_general3A_46 {dimension_numbers = #tpu.dot_dimension_numbers<[1], [1], [0], [0], [0, 0, 1, 0], [], []>, transpose_lhs_hint = false} : vector<256x1024xf32>, vector<1024x1024xf32>, vector<256x1024xf32> -> vector<256x1024xf32>
      %neg3A = arith.constant 0.000000e+00 : f32
      %neg3A_48 = vector.broadcast %neg3A : f32 to vector<256x1024xf32>
      %neg3A_49 = arith.subf %neg3A_48, %dot_general3A_45 : vector<256x1024xf32>
      %exp3A = math.exp %neg3A_49 : vector<256x1024xf32>
      %add3A = arith.constant 1.000000e+00 : f32
      %add3A_50 = vector.broadcast %add3A : f32 to vector<256x1024xf32>
      %add3A_51 = arith.addf %add3A_50, %exp3A : vector<256x1024xf32>
      %div3A = arith.divf %dot_general3A_45, %add3A_51 : vector<256x1024xf32>
      %mul3A = arith.mulf %div3A, %dot_general3A_47 : vector<256x1024xf32>
      %dot_general3A_52 = arith.constant dense<0.000000e+00> : vector<256x1024xf32>
      %dot_general3A_53 = tpu.matmul %mul3A, %get3A_44, %dot_general3A_52 {dimension_numbers = #tpu.dot_dimension_numbers<[1], [1], [0], [0], [0, 0, 1, 0], [], []>, transpose_lhs_hint = false} : vector<256x1024xf32>, vector<1024x1024xf32>, vector<256x1024xf32> -> vector<256x1024xf32>
      %swap3A = arith.constant 0 : index
      %swap3A_54 = arith.constant 0 : index
      %swap3A_55 = vector.load %arg9[%swap3A, %swap3A_54] : memref<256x1024xf32, #tpu.memory_space<vmem>>, vector<256x1024xf32>
      tpu.vector_store %arg9[%swap3A, %swap3A_54], %dot_general3A_53 {strides = array<i32>} : memref<256x1024xf32, #tpu.memory_space<vmem>>, vector<256x1024xf32>,
    } else {
    }
    return
  }
  func.func @transform_0(%arg0: i32, %arg1: memref<16xi32, #tpu.memory_space<smem>>, %arg2: memref<1xi32, #tpu.memory_space<smem>>, %arg3: memref<16xi32, #tpu.memory_space<smem>>, %arg4: memref<16xi32, #tpu.memory_space<smem>>) -> (i32, i32) {
    %get3A = arith.constant 0 : index
    %get3A_0 = memref.load %arg2[%get3A] : memref<1xi32, #tpu.memory_space<smem>>
    %sub3A = arith.constant 1 : i32
    %sub3A_1 = arith.subi %get3A_0, %sub3A : i32
    %min3A = arith.minsi %arg0, %sub3A_1 : i32
    %c0_i32 = arith.constant 0 : i32
    %c0_i32_2 = arith.constant 0 : i32
    return %min3A, %c0_i32 : i32, i32
  }
  func.func @transform_4(%arg0: i32, %arg1: memref<16xi32, #tpu.memory_space<smem>>, %arg2: memref<1xi32, #tpu.memory_space<smem>>, %arg3: memref<16xi32, #tpu.memory_space<smem>>, %arg4: memref<16xi32, #tpu.memory_space<smem>>) -> (i32, i32) {
    %c0_i32 = arith.constant 0 : i32
    %c0_i32_0 = arith.constant 0 : i32
    return %arg0, %c0_i32 : i32, i32
  }
}

</mosaic_0001>

<sc_bundles>
// kernel: kernel.10.cloned.1.call-start
scs
__scs_entry_jumppad:
0x0: {  	(pc) =	sbr.rel $0x88, $3  }
0x1: {  	(tag) =	ssettag $0x0;
	lr =	simm.s32 $0x1  }
0x2: {  	[smem:$0x3F9C] =	sst lr;
	_ =	strace $0xD0000000  }
0x3: {  	_ = 	snop  }
0x4: {  	_ = 	snop  }
0x5: {  	_ = 	snop  }
0x6: {  	_ = 	snop  }
0x7: {  	_ = 	snop  }
__scs_overlays_trampoline_lowered:
0x8: {  	[smem:$0x3FAB] =	sst s0  }
0x9: {  	[smem:$0x3FAC] =	sst s1  }
0xa: {  	[smem:$0x3FAD] =	sst s2  }
0xb: {  	[smem:$0x3FAE] =	sst s3  }
0xc: {  	[smem:$0x3FAF] =	sst s4  }
0xd: {  	[smem:$0x3FB0] =	sst s5  }
0xe: {  	[smem:$0x3FB1] =	sst s6  }
0xf: {  	[smem:$0x3FB2] =	sst s7  }
0x10: {  	[smem:$0x3FB3] =	sst s8  }
0x11: {  	[smem:$0x3FB4] =	sst s9;
	s0 =	simm.s32 @!p0 $0x0  }
0x12: {  	s1 =	sld [smem:$0x3F9A];
	s0 =	simm.s32 @p0 $0x1  }
0x13: {  	[smem:$0x3FB5] =	sst s0;
	s0 =	simm.s32 @!p1 $0x0  }
0x14: {  	s2 =	sld [smem:$0x3F99];
	s0 =	simm.s32 @p1 $0x1  }
0x15: {  	[smem:$0x3FB6] =	sst s0;
	s0 =	simm.s32 @!p2 $0x0  }
0x16: {  	s3 =	sld [smem:$0x3FDB];
	s0 =	simm.s32 @p2 $0x1  }
0x17: {  	s4 =	simm.s32 $0x1BF5;
	[smem:$0x3FB8] =	sst s0  }
0x18: {  	s0 =	sld [smem:$0x3F9B];
	_ =	swait.ge [sflag:s4], $0x0  }
0x19: {  	s7 =	sld [smem:$0x3F9C]  }
0x1a: {  	s8 =	sadd.s32 $0xFFFFE003, lr  }
0x1b: {  	s9 =	sadd.s32 $0xFFFFFEF7, lr;
	s5 =	simm.s32 $0xFFFFFFFF;
	p2 =	slt.u32 s8, $0xFFFFF086  }
0x1c: {  	p1 =	slt.u32 s9, $0xF7A;
	s5 =	simm.s32 @!p2 $0x0  }
0x1d: {  	s5 =	simm.s32 @p1 $0x1;
	p0 =	seq.s32 s7, s2  }
0x1e: {  	s7 =	smul.u32 @!p0 $0xF7A, s2;
	p2 =	seq.s32 @!p0 s5, $0x0  }
0x1f: {  	s9 =	smul.u32 $0xF7A, s1;
	s8 =	simm.s32 @!p0 $0x1BF5;
	p2 =	por !p2, p0  }
0x20: {  	[sflag:s8] =	ssyncset.s32 @!p0 $0xFFFFF086;
	s6 =	sadd.s32 @!p0 s3, s7;
	s7 =	simm.s32 @!p0 $0x108  }
0x21: {  	s3 =	sadd.s32 s3, s9;
	s6 =	sadd.s32 @!p0 $0x88, s6;
	s7 =	simm.s32 @p2 $0x1082  }
0x22: {  	[simem:s7], [sflag:s8] =	dma.local @!p0 [hbm:s6], $0xF7A  }
0x23: {  	s9 =	sor.u32 $0xD0000000, s2;
	s6 =	simm.s32 $0x108;
	_ =	swait.ge @!p0 [sflag:s8], $0x0  }
0x24: {  	s3 =	sadd.s32 $0x88, s3;
	s6 =	simm.s32 @!p1 $0x1082;
	[sflag:s4] =	ssyncset.s32 $0xFFFFF086  }
0x25: {  	[simem:s6], [sflag:s4] =	dma.local [hbm:s3], $0xF7A  }
0x26: {  	[smem:$0x3F9C] =	sst s1;
	(tag) =	ssettag s2;
	_ =	strace s9  }
0x27: {  	s1 =	sld [smem:$0x3FAC]  }
0x28: {  	s2 =	sld [smem:$0x3FAD]  }
0x29: {  	s4 =	sld [smem:$0x3FAF]  }
0x2a: {  	p0 =	seq.s32 s5, $0x0;
	s5 =	sld [smem:$0x3FB0]  }
0x2b: {  	s6 =	sld [smem:$0x3FB1]  }
0x2c: {  	s7 =	sld [smem:$0x3FB2]  }
0x2d: {  	s3 =	simm.s32 $0x108;
	s8 =	sld [smem:$0x3FB3]  }
0x2e: {  	s3 =	simm.s32 @!p0 $0x1082;
	s9 =	sld [smem:$0x3FB4]  }
0x2f: {  	lr =	sadd.s32 s0, s3;
	s0 =	sld [smem:$0x3FAB]  }
0x30: {  	s3 =	sld [smem:$0x3FAE]  }
0x31: {  	[smem:$0x3FB7] =	sst s10  }
0x32: {  	s10 =	sld [smem:$0x3FB5];
	_ =	sdelay $0x3  }
0x33: {  	p0 =	seq.s32 s10, $0x1;
	s10 =	sld [smem:$0x3FB7];
	_ =	sdelay $0x3  }
0x34: {  	[smem:$0x3FB7] =	sst s10  }
0x35: {  	s10 =	sld [smem:$0x3FB6];
	_ =	sdelay $0x3  }
0x36: {  	p1 =	seq.s32 s10, $0x1;
	s10 =	sld [smem:$0x3FB7];
	_ =	sdelay $0x3  }
0x37: {  	[smem:$0x3FB7] =	sst s10  }
0x38: {  	s10 =	sld [smem:$0x3FB8]  }
0x39: {  	_ = 	snop;
	(pc) =	sbr.ind lr, $3  }
0x3a: {  	_ = 	snop  }
0x3b: {  	_ = 	snop  }
0x3c: {  	p2 =	seq.s32 s10, $0x1;
	s10 =	sld [smem:$0x3FB7]  }
0x3d: {  	_ =	shalt  }
0x3e: {  	_ =	shalt  }
0x3f: {  	_ =	shalt  }
0x40: {  	_ =	shalt  }
0x41: {  	_ =	shalt  }
0x42: {  	_ =	shalt  }
0x43: {  	_ =	shalt  }
0x44: {  	_ =	shalt  }
0x45: {  	_ =	shalt  }
0x46: {  	_ =	shalt  }
0x47: {  	_ =	shalt  }
0x48: {  	_ =	shalt  }
0x49: {  	_ =	shalt  }
0x4a: {  	_ =	shalt  }
0x4b: {  	_ =	shalt  }
0x4c: {  	_ =	shalt  }
0x4d: {  	_ =	shalt  }
0x4e: {  	_ =	shalt  }
0x4f: {  	_ =	shalt  }
0x50: {  	_ =	shalt  }
0x51: {  	_ =	shalt  }
0x52: {  	_ =	shalt  }
0x53: {  	_ =	shalt  }
0x54: {  	_ =	shalt  }
0x55: {  	_ =	shalt  }
0x56: {  	_ =	shalt  }
0x57: {  	_ =	shalt  }
0x58: {  	_ =	shalt  }
0x59: {  	_ =	shalt  }
0x5a: {  	_ =	shalt  }
0x5b: {  	_ =	shalt  }
0x5c: {  	_ =	shalt  }
0x5d: {  	_ =	shalt  }
0x5e: {  	_ =	shalt  }
0x5f: {  	_ =	shalt  }
0x60: {  	_ =	shalt  }
0x61: {  	_ =	shalt  }
0x62: {  	_ =	shalt  }
0x63: {  	_ =	shalt  }
0x64: {  	_ =	shalt  }
0x65: {  	_ =	shalt  }
0x66: {  	_ =	shalt  }
0x67: {  	_ =	shalt  }
0x68: {  	_ =	shalt  }
0x69: {  	_ =	shalt  }
0x6a: {  	_ =	shalt  }
0x6b: {  	_ =	shalt  }
0x6c: {  	_ =	shalt  }
0x6d: {  	_ =	shalt  }
0x6e: {  	_ =	shalt  }
0x6f: {  	_ =	shalt  }
0x70: {  	_ =	shalt  }
0x71: {  	_ =	shalt  }
0x72: {  	_ =	shalt  }
0x73: {  	_ =	shalt  }
0x74: {  	_ =	shalt  }
0x75: {  	_ =	shalt  }
0x76: {  	_ =	shalt  }
0x77: {  	_ =	shalt  }
0x78: {  	_ =	shalt  }
0x79: {  	_ =	shalt  }
0x7a: {  	_ =	shalt  }
0x7b: {  	_ =	shalt  }
0x7c: {  	_ =	shalt  }
0x7d: {  	_ =	shalt  }
0x7e: {  	_ =	shalt  }
0x7f: {  	_ =	shalt  }
0x80: {  	_ =	shalt  }
0x81: {  	_ =	shalt  }
0x82: {  	_ =	shalt  }
0x83: {  	_ =	shalt  }
0x84: {  	_ =	shalt  }
0x85: {  	_ =	shalt  }
0x86: {  	_ =	shalt  }
0x87: {  	_ =	shalt  }
.Lfunc_end0:
.L_simem_size_0:
called_computation.1_lowered:
.L_overlay_start_0:
0x88: {  	s2 =	sld [smem:$0x3FD9]  }
0x89: {  	s3 =	sld [smem:$0x3FFE];
	_ =	sdelay $0x1  }
0x8a: {  	s1 =	srdreg.scid  }
0x8b: {  	s0 =	sand.u32 $0x1, s1  }
0x8c: {  	s17 =	sshll.u32 s0, $0xA;
	s2 =	sadd.s32 s3, s2  }
0x8d: {  	s2 =	sadd.s32 s2, s17  }
0x8e: {  	[smem:$0x3FC3] =	sst s2  }
0x8f: {  	_ = 	snop  }
0x90: {  	s2 =	sld [smem:$0x3FD0];
	(tm) =	ssettm $0x1  }
0x91: {  	s18 =	sld [smem:$0x3FFB];
	_ =	sdelay $0x3  }
0x92: {  	_ =	strace s18  }
0x93: {  	s3 =	sld [smem:$0x3FFC];
	_ =	sdelay $0x3  }
0x94: {  	_ =	strace s3  }
0x95: {  	s3 =	sld [smem:$0x3FFD];
	_ =	sdelay $0x3  }
0x96: {  	_ =	strace s3  }
0x97: {  	_ =	strace $0x8FFFFFFF  }
0x98: {  	s19 =	sld [smem:$0x3FDB];
	_ =	sdelay $0x1  }
0x99: {  	s4 =	simm.s32 $_scs_section_size  }
0x9a: {  	s5 =	simm.s32 $_size__tile_overlayer_lowered;
	s6 =	simm.s32 $_tile_overlayer_lowered  }
0x9b: {  	s22 =	simm.s32 $0x1BFF;
	s21 =	sshll.u32 s6, $0x1;
	s3 =	sadd.s32 s4, s19  }
0x9c: {  	s7 =	simm.s32 $0x0;
	s20 =	sshll.u32 s5, $0x1;
	s5 =	sadd.s32 s21, s3  }
0x9d: {  	[timem:s7], [sflag:s22] =	dma.local [hbm:s5], s20  }
0x9e: {  	_ =	swait.ge [sflag:s22], s20  }
0x9f: {  	s4 =	ssub.s32 $0x0, s20;
	[sflag:s22] =	ssyncset.done $0x0  }
0xa0: {  	[sflag:s22] =	ssyncadd.s32 s4;
	_ =	sdelay $0x1  }
0xa1: {  	s23 =	simm.s32 $0x1B8B  }
0xa2: {  	_ =	swait.ge [sflag:s23], $0x1  }
0xa3: {  	[sflag:s23] =	ssyncset.done $0x0  }
0xa4: {  	s25 =	simm.s32 $0x1B8E;
	s24 =	sld [smem:$0x3FFE];
	[sflag:s23] =	ssyncadd.s32 $0xFFFFFFFF  }
0xa5: {  	s26 =	simm.s32 $execute0_lowered;
	[smem:$0x3FD2] =	sst s25  }
0xa6: {  	s5 =	sshll.u32 s26, $0x1;
	_ =	strace $0x80000049;
	[dreg:$0x1] =	wrdreg $0xFFFFFFFF  }
0xa7: {  	s28 =	simm.s32 $_size_execute0_lowered;
	s3 =	sadd.s32 s3, s5;
	[dreg:$0x0] =	wrdreg $0x0  }
0xa8: {  	s5 =	sshll.u32 s28, $0x1;
	[dreg:$0x2] =	wrdreg s3  }
0xa9: {  	[dreg:$0x3] =	wrdreg s5  }
0xaa: {  	[dreg:$0x4] =	wrdreg $0xC0  }
0xab: {  	_ =	task [dreg:s7], $0x5FFFF  }
0xac: {  	[dreg:$0x1] =	wrdreg $0xFFFFFFFF  }
0xad: {  	[dreg:$0x0] =	wrdreg $0x60  }
0xae: {  	[dreg:$0x2] =	wrdreg s24  }
0xaf: {  	[dreg:$0x3] =	wrdreg s2  }
0xb0: {  	[dreg:$0x4] =	wrdreg $0x9  }
0xb1: {  	_ =	task.clear_ibuf [dreg:s7], $0x5FFFF;
	_ =	strace $0x90000049  }
0xb2: {  	s29 =	simm.s32 $0x9;
	_ =	strace $0x8000004B  }
0xb3: {  	_ =	swait.ge [sflag:s29], $0x1  }
0xb4: {  	[sflag:s29] =	ssyncadd.s32 $0xFFFFFFFF  }
0xb5: {  	_ =	strace $0x9000004B  }
0xb6: {  	_ =	sfence  }
0xb7: {  	s30 =	sld [smem:$0x0];
	_ =	sdelay $0x2  }
0xb8: {  	s31 =	sshll.u32 s1, $0xD;
	s1 =	sshrl.u32 s1, $0x2  }
0xb9: {  	s3 =	sand.u32 $0x4000, s31;
	s1 =	sadd.s32 s1, s30  }
0xba: {  	s0 =	sor.u32 s3, s0;
	s1 =	sshll.u32 s1, $0x11  }
0xbb: {  	s0 =	sor.u32 s1, s0  }
0xbc: {  	s0 =	sadd.s32 $0x8F2B, s0  }
0xbd: {  	[sflag:s0] =	ssyncadd.remote.s32 $0x1  }
0xbe: {  	_ =	sfence.sel $0xFFFF  }
0xbf: {  	[dreg:$0x0] =	wrdreg $0xFFFFFFFF;
	(pc) =	sbr.abs _section_cstart, $3  }
0xc0: {  	[dreg:$0x1] =	wrdreg $0xFFFFFFFF  }
0xc1: {  	_ =	task.clear_ibuf [dreg:s7], $0x2FFFF;
	_ =	strace $0x9FFFFFFF  }
0xc2: {  	(tm) =	ssettm $0x7FFFFFFF  }
0xc3: {  	_ =	shalt  }
tec
execute0_lowered:
.L_overlay_start_1:
0x0: {  	(tag) =	ssettag $0x1  }
0x1: {  	s1 =	srdreg.scid;
	s6 =	rddreg [dreg:$0x0]  }
0x2: {  	s0 =	stileid.u32;
	s3 =	rddreg [dreg:$0x1];
	s2 =	simm.s32 $0x0  }
0x3: {  	s18 =	simm.s32 $0x880;
	s19 =	simm.s32 $0x1080;
	s20 =	simm.s32 $0x1880  }
0x4: {  	s22 =	simm.s32 $0x2080;
	s23 =	simm.s32 $0x2880;
	s7 =	simm.s32 $0x3080  }
0x5: {  	s24 =	simm.s32 $0x3880;
	s8 =	simm.s32 $0x4080;
	[smem:$0x7FF] =	sst s2  }
0x6: {  	s25 =	simm.s32 $0x4880;
	_ =	strace $0x8000004A;
	[dreg:$0x5] =	wrdreg s18  }
0x7: {  	s26 =	simm.s32 $0x5080;
	s9 =	simm.s32 $0x80;
	[dreg:$0x6] =	wrdreg s19  }
0x8: {  	s11 =	simm.s32 $0x6080;
	s12 =	simm.s32 $0x6880;
	[dreg:$0x7] =	wrdreg s20  }
0x9: {  	s13 =	simm.s32 $0x7080;
	s14 =	simm.s32 $0x7880;
	[dreg:$0x8] =	wrdreg s22  }
0xa: {  	s15 =	simm.s32 $0x8080;
	s16 =	simm.s32 $0x8880;
	[dreg:$0x9] =	wrdreg s23  }
0xb: {  	s17 =	simm.s32 $0x9080;
	s28 =	simm.s32 $0xE080;
	[dreg:$0xa] =	wrdreg s7  }
0xc: {  	s29 =	simm.s32 $0xE880;
	s30 =	simm.s32 $0xF080;
	[dreg:$0xb] =	wrdreg s24  }
0xd: {  	s31 =	simm.s32 $0xF880;
	s1 =	sand.u32 $0x1, s1;
	[dreg:$0xc] =	wrdreg s8  }
0xe: {  	s4 =	sshll.u32 s0, $0x7;
	s5 =	sshll.u32 s1, $0x6;
	[dreg:$0xd] =	wrdreg s25  }
0xf: {  	s1 =	ssub.s32 $0x2, s1;
	s8 =	simm.s32 $0x2;
	[dreg:$0xe] =	wrdreg s26  }
0x10: {  	s18 =	simm.s32 $0x9880;
	s19 =	simm.s32 $0xA080;
	s20 =	simm.s32 $0xA880  }
0x11: {  	s22 =	simm.s32 $0xB880;
	s23 =	simm.s32 $0xC080;
	s24 =	simm.s32 $0xC880  }
0x12: {  	s25 =	simm.s32 $0xD080;
	s26 =	simm.s32 $0xD880;
	s4 =	sor.u32 s5, s4  }
0x13: {  	s21 =	sshrl.u32 s1, $0x1;
	s5 =	sshrl.u32 s4, $0x3;
	s4 =	sshll.u32 s4, $0x7  }
0x14: {  	s1 =	ssub.s32 s1, s21;
	s21 =	simm.s32 $0xB080;
	s5 =	sadd.s32 s6, s5  }
0x15: {  	v2 =	vlaneseq.u32;
	s3 =	sadd.s32 s3, s4;
	s4 =	sadd.s32 $0x300, s6;
	[dreg:$0x3] =	wrdreg s5  }
0x16: {  	vm0 =	vmmov $0xffff;
	v1 =	vshrl.u32 v2, $0x3;
	s7 =	smax.u32 s1, $0x1;
	s1 =	simm.s32 $0x1;
	[dreg:$0x4] =	wrdreg s3  }
0x17: {  	v0 =	vand.u32 $0x7, v2;
	v2 =	vor.u32 $0x8, v2;
	v1 =	vmul.u32 $0x8, v1;
	s3 =	sadd.s32 $0x200, s6;
	s5 =	sadd.s32 $0x400, s6;
	s6 =	sadd.s32 $0x500, s6  }
.LBB2_1:
0x18: {  	s0 =	rddreg [dreg:$0x3]  }
0x19: {  	[tilespmem:s2], [sflag:$0x2] =	stream.linear.gather [hbm4b:s0+s2], $0x40, $0x38;
	[tilespmem:$0x10080] =	vst v63  }
0x1a: {  	_ =	swait.ge [sflag:s8], $0x40  }
0x1b: {  	[sflag:s8] =	ssyncset.done $0x0  }
0x1c: {  	[sflag:s8] =	ssyncadd.s32 $0xFFFFFFC0  }
0x1d: {  	v3 =	vld [tilespmem:$0x0];
	_ =	sdelay $0x4  }
0x1e: {  	v4 =	vshll.u32 v3, $0x3  }
0x1f: {  	v3 =	vand.u32 $0x7, v3;
	v4 =	vand.u32 $0xFFFFFFC0, v4  }
0x20: {  	v3 =	vor.u32 v3, v4  }
0x21: {  	v4 =	vperm.xlane v3, v0;
	_ =	sdelay $0x1  }
0x22: {  	v4 =	vadd.s32 v1, v4;
	_ =	sdelay $0x4  }
0x23: {  	[tilespmem:s9], [sflag:$0x1] =	stream.indirect_vreg.gather [hbm4b:s3+s2], $0x80, v4, vm0, $0xb8;
	[tilespmem:$0x10080] =	vst v63  }
0x24: {  	s0 =	rddreg [dreg:$0x5];
	v3 =	vperm.xlane v3, v2  }
0x25: {  	[tilespmem:s0], [sflag:$0x1] =	stream.indirect_vreg.gather [hbm4b:s4+s2], $0x80, v4, vm0, $0xb8;
	[tilespmem:$0x10080] =	vst v63  }
0x26: {  	s10 =	rddreg [dreg:$0x6];
	v3 =	vadd.s32 v1, v3  }
0x27: {  	[tilespmem:s10], [sflag:$0x1] =	stream.indirect_vreg.gather [hbm4b:s5+s2], $0x80, v4, vm0, $0xb8;
	[tilespmem:$0x10080] =	vst v63  }
0x28: {  	s0 =	rddreg [dreg:$0x7]  }
0x29: {  	[tilespmem:s0], [sflag:$0x1] =	stream.indirect_vreg.gather [hbm4b:s6+s2], $0x80, v4, vm0, $0xb8;
	[tilespmem:$0x10080] =	vst v63  }
0x2a: {  	s10 =	rddreg [dreg:$0x8]  }
0x2b: {  	[tilespmem:s10], [sflag:$0x1] =	stream.indirect_vreg.gather [hbm4b:s3+s2], $0x80, v3, vm0, $0xb8;
	[tilespmem:$0x10080] =	vst v63  }
0x2c: {  	s0 =	rddreg [dreg:$0x9]  }
0x2d: {  	[tilespmem:s0], [sflag:$0x1] =	stream.indirect_vreg.gather [hbm4b:s4+s2], $0x80, v3, vm0, $0xb8;
	[tilespmem:$0x10080] =	vst v63  }
0x2e: {  	s10 =	rddreg [dreg:$0xa]  }
0x2f: {  	[tilespmem:s10], [sflag:$0x1] =	stream.indirect_vreg.gather [hbm4b:s5+s2], $0x80, v3, vm0, $0xb8;
	[tilespmem:$0x10080] =	vst v63  }
0x30: {  	s0 =	rddreg [dreg:$0xb]  }
0x31: {  	[tilespmem:s0], [sflag:$0x1] =	stream.indirect_vreg.gather [hbm4b:s6+s2], $0x80, v3, vm0, $0xb8;
	[tilespmem:$0x10080] =	vst v63  }
0x32: {  	v3 =	vld [tilespmem:$0x10];
	_ =	sdelay $0x4  }
0x33: {  	v61 =	vshll.u32 v3, $0x3  }
0x34: {  	v3 =	vand.u32 $0x7, v3;
	v4 =	vand.u32 $0xFFFFFFC0, v61  }
0x35: {  	v3 =	vor.u32 v3, v4  }
0x36: {  	v4 =	vperm.xlane v3, v0;
	_ =	sdelay $0x1  }
0x37: {  	v4 =	vadd.s32 v1, v4;
	_ =	sdelay $0x3  }
0x38: {  	s0 =	rddreg [dreg:$0xc]  }
0x39: {  	[tilespmem:s0], [sflag:$0x1] =	stream.indirect_vreg.gather [hbm4b:s3+s2], $0x80, v4, vm0, $0xb8;
	[tilespmem:$0x10080] =	vst v63  }
0x3a: {  	s10 =	rddreg [dreg:$0xd];
	v3 =	vperm.xlane v3, v2  }
0x3b: {  	[tilespmem:s10], [sflag:$0x1] =	stream.indirect_vreg.gather [hbm4b:s4+s2], $0x80, v4, vm0, $0xb8;
	[tilespmem:$0x10080] =	vst v63  }
0x3c: {  	v3 =	vadd.s32 v1, v3;
	s0 =	rddreg [dreg:$0xe]  }
0x3d: {  	[tilespmem:s0], [sflag:$0x1] =	stream.indirect_vreg.gather [hbm4b:s5+s2], $0x80, v4, vm0, $0xb8;
	[tilespmem:$0x10080] =	vst v63  }
0x3e: {  	s10 =	simm.s32 $0x5880  }
0x3f: {  	[tilespmem:s10], [sflag:$0x1] =	stream.indirect_vreg.gather [hbm4b:s6+s2], $0x80, v4, vm0, $0xb8;
	[tilespmem:$0x10080] =	vst v63  }
0x40: {  	_ = 	snop  }
0x41: {  	[tilespmem:s11], [sflag:$0x1] =	stream.indirect_vreg.gather [hbm4b:s3+s2], $0x80, v3, vm0, $0xb8;
	[tilespmem:$0x10080] =	vst v63  }
0x42: {  	_ = 	snop  }
0x43: {  	[tilespmem:s12], [sflag:$0x1] =	stream.indirect_vreg.gather [hbm4b:s4+s2], $0x80, v3, vm0, $0xb8;
	[tilespmem:$0x10080] =	vst v63  }
0x44: {  	_ = 	snop  }
0x45: {  	[tilespmem:s13], [sflag:$0x1] =	stream.indirect_vreg.gather [hbm4b:s5+s2], $0x80, v3, vm0, $0xb8;
	[tilespmem:$0x10080] =	vst v63  }
0x46: {  	_ = 	snop  }
0x47: {  	[tilespmem:s14], [sflag:$0x1] =	stream.indirect_vreg.gather [hbm4b:s6+s2], $0x80, v3, vm0, $0xb8;
	[tilespmem:$0x10080] =	vst v63  }
0x48: {  	v3 =	vld [tilespmem:$0x20];
	_ =	sdelay $0x4  }
0x49: {  	v62 =	vshll.u32 v3, $0x3  }
0x4a: {  	v3 =	vand.u32 $0x7, v3;
	v4 =	vand.u32 $0xFFFFFFC0, v62  }
0x4b: {  	v3 =	vor.u32 v3, v4  }
0x4c: {  	v4 =	vperm.xlane v3, v0;
	_ =	sdelay $0x1  }
0x4d: {  	v4 =	vadd.s32 v1, v4;
	_ =	sdelay $0x4  }
0x4e: {  	[tilespmem:s15], [sflag:$0x1] =	stream.indirect_vreg.gather [hbm4b:s3+s2], $0x80, v4, vm0, $0xb8;
	[tilespmem:$0x10080] =	vst v63  }
0x4f: {  	v3 =	vperm.xlane v3, v2  }
0x50: {  	[tilespmem:s16], [sflag:$0x1] =	stream.indirect_vreg.gather [hbm4b:s4+s2], $0x80, v4, vm0, $0xb8;
	[tilespmem:$0x10080] =	vst v63  }
0x51: {  	v3 =	vadd.s32 v1, v3  }
0x52: {  	[tilespmem:s17], [sflag:$0x1] =	stream.indirect_vreg.gather [hbm4b:s5+s2], $0x80, v4, vm0, $0xb8;
	[tilespmem:$0x10080] =	vst v63  }
0x53: {  	_ = 	snop  }
0x54: {  	[tilespmem:s18], [sflag:$0x1] =	stream.indirect_vreg.gather [hbm4b:s6+s2], $0x80, v4, vm0, $0xb8;
	[tilespmem:$0x10080] =	vst v63  }
0x55: {  	_ = 	snop  }
0x56: {  	[tilespmem:s19], [sflag:$0x1] =	stream.indirect_vreg.gather [hbm4b:s3+s2], $0x80, v3, vm0, $0xb8;
	[tilespmem:$0x10080] =	vst v63  }
0x57: {  	_ = 	snop  }
0x58: {  	[tilespmem:s20], [sflag:$0x1] =	stream.indirect_vreg.gather [hbm4b:s4+s2], $0x80, v3, vm0, $0xb8;
	[tilespmem:$0x10080] =	vst v63  }
0x59: {  	_ = 	snop  }
0x5a: {  	[tilespmem:s21], [sflag:$0x1] =	stream.indirect_vreg.gather [hbm4b:s5+s2], $0x80, v3, vm0, $0xb8;
	[tilespmem:$0x10080] =	vst v63  }
0x5b: {  	_ = 	snop  }
0x5c: {  	[tilespmem:s22], [sflag:$0x1] =	stream.indirect_vreg.gather [hbm4b:s6+s2], $0x80, v3, vm0, $0xb8;
	[tilespmem:$0x10080] =	vst v63  }
0x5d: {  	v3 =	vld [tilespmem:$0x30];
	_ =	sdelay $0x4  }
0x5e: {  	v63 =	vshll.u32 v3, $0x3  }
0x5f: {  	v3 =	vand.u32 $0x7, v3;
	v4 =	vand.u32 $0xFFFFFFC0, v63  }
0x60: {  	v3 =	vor.u32 v3, v4  }
0x61: {  	v4 =	vperm.xlane v3, v0;
	_ =	sdelay $0x1  }
0x62: {  	v4 =	vadd.s32 v1, v4;
	_ =	sdelay $0x4  }
0x63: {  	[tilespmem:s23], [sflag:$0x1] =	stream.indirect_vreg.gather [hbm4b:s3+s2], $0x80, v4, vm0, $0xb8;
	[tilespmem:$0x10080] =	vst v63  }
0x64: {  	v3 =	vperm.xlane v3, v2  }
0x65: {  	[tilespmem:s24], [sflag:$0x1] =	stream.indirect_vreg.gather [hbm4b:s4+s2], $0x80, v4, vm0, $0xb8;
	[tilespmem:$0x10080] =	vst v63  }
0x66: {  	v3 =	vadd.s32 v1, v3  }
0x67: {  	[tilespmem:s25], [sflag:$0x1] =	stream.indirect_vreg.gather [hbm4b:s5+s2], $0x80, v4, vm0, $0xb8;
	[tilespmem:$0x10080] =	vst v63  }
0x68: {  	_ = 	snop  }
0x69: {  	[tilespmem:s26], [sflag:$0x1] =	stream.indirect_vreg.gather [hbm4b:s6+s2], $0x80, v4, vm0, $0xb8;
	[tilespmem:$0x10080] =	vst v63  }
0x6a: {  	_ = 	snop  }
0x6b: {  	[tilespmem:s28], [sflag:$0x1] =	stream.indirect_vreg.gather [hbm4b:s3+s2], $0x80, v3, vm0, $0xb8;
	[tilespmem:$0x10080] =	vst v63  }
0x6c: {  	_ = 	snop  }
0x6d: {  	[tilespmem:s29], [sflag:$0x1] =	stream.indirect_vreg.gather [hbm4b:s4+s2], $0x80, v3, vm0, $0xb8;
	[tilespmem:$0x10080] =	vst v63  }
0x6e: {  	_ = 	snop  }
0x6f: {  	[tilespmem:s30], [sflag:$0x1] =	stream.indirect_vreg.gather [hbm4b:s5+s2], $0x80, v3, vm0, $0xb8;
	[tilespmem:$0x10080] =	vst v63  }
0x70: {  	_ = 	snop  }
0x71: {  	[tilespmem:s31], [sflag:$0x1] =	stream.indirect_vreg.gather [hbm4b:s6+s2], $0x80, v3, vm0, $0xb8;
	[tilespmem:$0x10080] =	vst v63  }
0x72: {  	_ =	swait.ge [sflag:s1], $0x10000  }
0x73: {  	p0 =	sne.s32 s7, $0x1;
	[sflag:s1] =	ssyncset.done $0x0  }
.Ltmp0:
0x74: {  	s10 =	rddreg [dreg:$0x4];
	[sflag:s1] =	ssyncadd.s32 $0xFFFF0000;
	(pc) =	sbr.rel @p0 .LBB2_1-.Ltmp0, $4  }
0x75: {  	[hbm4b:s10+s2] =	stream.linear.scatter [tilespmem:s9], [sflag:$0x2], $0x10000, $0x38;
	[tilespmem:$0x10080] =	vst v63  }
0x76: {  	_ =	swait.ge [sflag:s8], $0x10000  }
0x77: {  	[sflag:s8] =	ssyncset.done $0x0  }
0x78: {  	s7 =	sadd.s32 $0xFFFFFFFF, s7;
	[sflag:s8] =	ssyncadd.s32 $0xFFFF0000  }
0x79: {  	_ =	sfence.sel $0x180000  }
0x7a: {  	[bflag:$0x0] =	sbarrier.arrive $0xFFFF  }
0x7b: {  	_ =	strace $0x9000004A  }
0x7c: {  	s0 =	stileid.u32;
	[bflag:$0x2] =	sbarrier.arrive $0xFFFF  }
0x7d: {  	p0 =	sne.s32 s0, $0x0;
	s0 =	rddreg [dreg:$0x2]  }
0x7e: {  	s0 =	sadd.s32 @!p0 $0x100000, s0  }
0x7f: {  	[sflag:s0] =	ssyncadd.tile.s32 @!p0 $0x1;
	_ =	shalt  }
.Lfunc_end2:
_tile_overlayer_lowered:
.L_overlay_start_2:
0x80: {  	(tag) =	ssettag $0x2  }
0x81: {  	s0 =	rddreg [dreg:$0x0];
	s2 =	stileid.u32  }
0x82: {  	s1 =	rddreg [dreg:$0x1];
	p0 =	sne.s32 s2, $0x0  }
0x83: {  	s3 =	rddreg [dreg:$0x2];
	[bflag:$0x3] =	sbarrier.arrive $0xFFFF;
	s2 =	simm.s32 @!p0 $0x1C02  }
0x84: {  	[timem:s3], [sflag:s2] =	dma.local @!p0 [hbm:s0], s1  }
0x85: {  	s0 =	simm.s32 @!p0 $0x2  }
0x86: {  	_ =	swait.ge @!p0 [sflag:s0], s1  }
0x87: {  	s1 =	ssub.s32 @!p0 $0x0, s1;
	[sflag:s0] =	ssyncset.done @!p0 $0x0  }
0x88: {  	[sflag:s0] =	ssyncadd.s32 @!p0 s1  }
0x89: {  	[bflag:$0x3] =	sbarrier.arrive $0xFFFF  }
0x8a: {  	_ =	shalt  }

// kernel: kernel.7.cloned.1.call-start
scs
__scs_entry_jumppad:
0x0: {  	(pc) =	sbr.rel $0x88, $3  }
0x1: {  	(tag) =	ssettag $0x0;
	lr =	simm.s32 $0x1  }
0x2: {  	[smem:$0x3F9C] =	sst lr;
	_ =	strace $0xD0000000  }
0x3: {  	_ = 	snop  }
0x4: {  	_ = 	snop  }
0x5: {  	_ = 	snop  }
0x6: {  	_ = 	snop  }
0x7: {  	_ = 	snop  }
__scs_overlays_trampoline_lowered:
0x8: {  	[smem:$0x3FAB] =	sst s0  }
0x9: {  	[smem:$0x3FAC] =	sst s1  }
0xa: {  	[smem:$0x3FAD] =	sst s2  }
0xb: {  	[smem:$0x3FAE] =	sst s3  }
0xc: {  	[smem:$0x3FAF] =	sst s4  }
0xd: {  	[smem:$0x3FB0] =	sst s5  }
0xe: {  	[smem:$0x3FB1] =	sst s6  }
0xf: {  	[smem:$0x3FB2] =	sst s7  }
0x10: {  	[smem:$0x3FB3] =	sst s8  }
0x11: {  	[smem:$0x3FB4] =	sst s9;
	s0 =	simm.s32 @!p0 $0x0  }
0x12: {  	s1 =	sld [smem:$0x3F9A];
	s0 =	simm.s32 @p0 $0x1  }
0x13: {  	[smem:$0x3FB5] =	sst s0;
	s0 =	simm.s32 @!p1 $0x0  }
0x14: {  	s2 =	sld [smem:$0x3F99];
	s0 =	simm.s32 @p1 $0x1  }
0x15: {  	[smem:$0x3FB6] =	sst s0;
	s0 =	simm.s32 @!p2 $0x0  }
0x16: {  	s3 =	sld [smem:$0x3FDB];
	s0 =	simm.s32 @p2 $0x1  }
0x17: {  	s4 =	simm.s32 $0x1BF5;
	[smem:$0x3FB8] =	sst s0  }
0x18: {  	s0 =	sld [smem:$0x3F9B];
	_ =	swait.ge [sflag:s4], $0x0  }
0x19: {  	s7 =	sld [smem:$0x3F9C]  }
0x1a: {  	s8 =	sadd.s32 $0xFFFFE003, lr  }
0x1b: {  	s9 =	sadd.s32 $0xFFFFFEF7, lr;
	s5 =	simm.s32 $0xFFFFFFFF;
	p2 =	slt.u32 s8, $0xFFFFF086  }
0x1c: {  	p1 =	slt.u32 s9, $0xF7A;
	s5 =	simm.s32 @!p2 $0x0  }
0x1d: {  	s5 =	simm.s32 @p1 $0x1;
	p0 =	seq.s32 s7, s2  }
0x1e: {  	s7 =	smul.u32 @!p0 $0xF7A, s2;
	p2 =	seq.s32 @!p0 s5, $0x0  }
0x1f: {  	s9 =	smul.u32 $0xF7A, s1;
	s8 =	simm.s32 @!p0 $0x1BF5;
	p2 =	por !p2, p0  }
0x20: {  	[sflag:s8] =	ssyncset.s32 @!p0 $0xFFFFF086;
	s6 =	sadd.s32 @!p0 s3, s7;
	s7 =	simm.s32 @!p0 $0x108  }
0x21: {  	s3 =	sadd.s32 s3, s9;
	s6 =	sadd.s32 @!p0 $0x88, s6;
	s7 =	simm.s32 @p2 $0x1082  }
0x22: {  	[simem:s7], [sflag:s8] =	dma.local @!p0 [hbm:s6], $0xF7A  }
0x23: {  	s9 =	sor.u32 $0xD0000000, s2;
	s6 =	simm.s32 $0x108;
	_ =	swait.ge @!p0 [sflag:s8], $0x0  }
0x24: {  	s3 =	sadd.s32 $0x88, s3;
	s6 =	simm.s32 @!p1 $0x1082;
	[sflag:s4] =	ssyncset.s32 $0xFFFFF086  }
0x25: {  	[simem:s6], [sflag:s4] =	dma.local [hbm:s3], $0xF7A  }
0x26: {  	[smem:$0x3F9C] =	sst s1;
	(tag) =	ssettag s2;
	_ =	strace s9  }
0x27: {  	s1 =	sld [smem:$0x3FAC]  }
0x28: {  	s2 =	sld [smem:$0x3FAD]  }
0x29: {  	s4 =	sld [smem:$0x3FAF]  }
0x2a: {  	p0 =	seq.s32 s5, $0x0;
	s5 =	sld [smem:$0x3FB0]  }
0x2b: {  	s6 =	sld [smem:$0x3FB1]  }
0x2c: {  	s7 =	sld [smem:$0x3FB2]  }
0x2d: {  	s3 =	simm.s32 $0x108;
	s8 =	sld [smem:$0x3FB3]  }
0x2e: {  	s3 =	simm.s32 @!p0 $0x1082;
	s9 =	sld [smem:$0x3FB4]  }
0x2f: {  	lr =	sadd.s32 s0, s3;
	s0 =	sld [smem:$0x3FAB]  }
0x30: {  	s3 =	sld [smem:$0x3FAE]  }
0x31: {  	[smem:$0x3FB7] =	sst s10  }
0x32: {  	s10 =	sld [smem:$0x3FB5];
	_ =	sdelay $0x3  }
0x33: {  	p0 =	seq.s32 s10, $0x1;
	s10 =	sld [smem:$0x3FB7];
	_ =	sdelay $0x3  }
0x34: {  	[smem:$0x3FB7] =	sst s10  }
0x35: {  	s10 =	sld [smem:$0x3FB6];
	_ =	sdelay $0x3  }
0x36: {  	p1 =	seq.s32 s10, $0x1;
	s10 =	sld [smem:$0x3FB7];
	_ =	sdelay $0x3  }
0x37: {  	[smem:$0x3FB7] =	sst s10  }
0x38: {  	s10 =	sld [smem:$0x3FB8]  }
0x39: {  	_ = 	snop;
	(pc) =	sbr.ind lr, $3  }
0x3a: {  	_ = 	snop  }
0x3b: {  	_ = 	snop  }
0x3c: {  	p2 =	seq.s32 s10, $0x1;
	s10 =	sld [smem:$0x3FB7]  }
0x3d: {  	_ =	shalt  }
0x3e: {  	_ =	shalt  }
0x3f: {  	_ =	shalt  }
0x40: {  	_ =	shalt  }
0x41: {  	_ =	shalt  }
0x42: {  	_ =	shalt  }
0x43: {  	_ =	shalt  }
0x44: {  	_ =	shalt  }
0x45: {  	_ =	shalt  }
0x46: {  	_ =	shalt  }
0x47: {  	_ =	shalt  }
0x48: {  	_ =	shalt  }
0x49: {  	_ =	shalt  }
0x4a: {  	_ =	shalt  }
0x4b: {  	_ =	shalt  }
0x4c: {  	_ =	shalt  }
0x4d: {  	_ =	shalt  }
0x4e: {  	_ =	shalt  }
0x4f: {  	_ =	shalt  }
0x50: {  	_ =	shalt  }
0x51: {  	_ =	shalt  }
0x52: {  	_ =	shalt  }
0x53: {  	_ =	shalt  }
0x54: {  	_ =	shalt  }
0x55: {  	_ =	shalt  }
0x56: {  	_ =	shalt  }
0x57: {  	_ =	shalt  }
0x58: {  	_ =	shalt  }
0x59: {  	_ =	shalt  }
0x5a: {  	_ =	shalt  }
0x5b: {  	_ =	shalt  }
0x5c: {  	_ =	shalt  }
0x5d: {  	_ =	shalt  }
0x5e: {  	_ =	shalt  }
0x5f: {  	_ =	shalt  }
0x60: {  	_ =	shalt  }
0x61: {  	_ =	shalt  }
0x62: {  	_ =	shalt  }
0x63: {  	_ =	shalt  }
0x64: {  	_ =	shalt  }
0x65: {  	_ =	shalt  }
0x66: {  	_ =	shalt  }
0x67: {  	_ =	shalt  }
0x68: {  	_ =	shalt  }
0x69: {  	_ =	shalt  }
0x6a: {  	_ =	shalt  }
0x6b: {  	_ =	shalt  }
0x6c: {  	_ =	shalt  }
0x6d: {  	_ =	shalt  }
0x6e: {  	_ =	shalt  }
0x6f: {  	_ =	shalt  }
0x70: {  	_ =	shalt  }
0x71: {  	_ =	shalt  }
0x72: {  	_ =	shalt  }
0x73: {  	_ =	shalt  }
0x74: {  	_ =	shalt  }
0x75: {  	_ =	shalt  }
0x76: {  	_ =	shalt  }
0x77: {  	_ =	shalt  }
0x78: {  	_ =	shalt  }
0x79: {  	_ =	shalt  }
0x7a: {  	_ =	shalt  }
0x7b: {  	_ =	shalt  }
0x7c: {  	_ =	shalt  }
0x7d: {  	_ =	shalt  }
0x7e: {  	_ =	shalt  }
0x7f: {  	_ =	shalt  }
0x80: {  	_ =	shalt  }
0x81: {  	_ =	shalt  }
0x82: {  	_ =	shalt  }
0x83: {  	_ =	shalt  }
0x84: {  	_ =	shalt  }
0x85: {  	_ =	shalt  }
0x86: {  	_ =	shalt  }
0x87: {  	_ =	shalt  }
.Lfunc_end0:
.L_simem_size_0:
called_computation_lowered:
.L_overlay_start_0:
0x88: {  	s2 =	sld [smem:$0x3FD9]  }
0x89: {  	s3 =	sld [smem:$0x3FFE];
	_ =	sdelay $0x1  }
0x8a: {  	s1 =	srdreg.scid  }
0x8b: {  	s0 =	sand.u32 $0x1, s1  }
0x8c: {  	s17 =	sshll.u32 s0, $0xA;
	s2 =	sadd.s32 s3, s2  }
0x8d: {  	s2 =	sadd.s32 s2, s17  }
0x8e: {  	[smem:$0x3FC3] =	sst s2  }
0x8f: {  	_ = 	snop  }
0x90: {  	s2 =	sld [smem:$0x3FC9];
	(tm) =	ssettm $0x1  }
0x91: {  	s18 =	sld [smem:$0x3FFB];
	_ =	sdelay $0x3  }
0x92: {  	_ =	strace s18  }
0x93: {  	s3 =	sld [smem:$0x3FFC];
	_ =	sdelay $0x3  }
0x94: {  	_ =	strace s3  }
0x95: {  	s3 =	sld [smem:$0x3FFD];
	_ =	sdelay $0x3  }
0x96: {  	_ =	strace s3  }
0x97: {  	_ =	strace $0x8FFFFFFF  }
0x98: {  	s19 =	sld [smem:$0x3FDB];
	_ =	sdelay $0x1  }
0x99: {  	s4 =	simm.s32 $_scs_section_size  }
0x9a: {  	s5 =	simm.s32 $_size__tile_overlayer_lowered;
	s6 =	simm.s32 $_tile_overlayer_lowered  }
0x9b: {  	s22 =	simm.s32 $0x1BFF;
	s21 =	sshll.u32 s6, $0x1;
	s3 =	sadd.s32 s4, s19  }
0x9c: {  	s7 =	simm.s32 $0x0;
	s20 =	sshll.u32 s5, $0x1;
	s5 =	sadd.s32 s21, s3  }
0x9d: {  	[timem:s7], [sflag:s22] =	dma.local [hbm:s5], s20  }
0x9e: {  	_ =	swait.ge [sflag:s22], s20  }
0x9f: {  	s4 =	ssub.s32 $0x0, s20;
	[sflag:s22] =	ssyncset.done $0x0  }
0xa0: {  	[sflag:s22] =	ssyncadd.s32 s4;
	_ =	sdelay $0x1  }
0xa1: {  	s23 =	simm.s32 $0x1B8B  }
0xa2: {  	_ =	swait.ge [sflag:s23], $0x1  }
0xa3: {  	[sflag:s23] =	ssyncset.done $0x0  }
0xa4: {  	s25 =	simm.s32 $0x1B8E;
	s24 =	sld [smem:$0x3FFE];
	[sflag:s23] =	ssyncadd.s32 $0xFFFFFFFF  }
0xa5: {  	s26 =	simm.s32 $execute0_lowered;
	[smem:$0x3FD2] =	sst s25  }
0xa6: {  	s5 =	sshll.u32 s26, $0x1;
	_ =	strace $0x80000046;
	[dreg:$0x1] =	wrdreg $0xFFFFFFFF  }
0xa7: {  	s28 =	simm.s32 $_size_execute0_lowered;
	s3 =	sadd.s32 s3, s5;
	[dreg:$0x0] =	wrdreg $0x0  }
0xa8: {  	s5 =	sshll.u32 s28, $0x1;
	[dreg:$0x2] =	wrdreg s3  }
0xa9: {  	[dreg:$0x3] =	wrdreg s5  }
0xaa: {  	[dreg:$0x4] =	wrdreg $0xC0  }
0xab: {  	_ =	task [dreg:s7], $0x5FFFF  }
0xac: {  	[dreg:$0x1] =	wrdreg $0xFFFFFFFF  }
0xad: {  	[dreg:$0x0] =	wrdreg $0x60  }
0xae: {  	[dreg:$0x2] =	wrdreg s2  }
0xaf: {  	[dreg:$0x3] =	wrdreg s24  }
0xb0: {  	[dreg:$0x4] =	wrdreg $0x9  }
0xb1: {  	_ =	task.clear_ibuf [dreg:s7], $0x5FFFF;
	_ =	strace $0x90000046  }
0xb2: {  	s29 =	simm.s32 $0x9;
	_ =	strace $0x80000048  }
0xb3: {  	_ =	swait.ge [sflag:s29], $0x1  }
0xb4: {  	[sflag:s29] =	ssyncadd.s32 $0xFFFFFFFF  }
0xb5: {  	_ =	strace $0x90000048  }
0xb6: {  	_ =	sfence  }
0xb7: {  	s30 =	sld [smem:$0x0];
	_ =	sdelay $0x2  }
0xb8: {  	s31 =	sshll.u32 s1, $0xD;
	s1 =	sshrl.u32 s1, $0x2  }
0xb9: {  	s3 =	sand.u32 $0x4000, s31;
	s1 =	sadd.s32 s1, s30  }
0xba: {  	s0 =	sor.u32 s3, s0;
	s1 =	sshll.u32 s1, $0x11  }
0xbb: {  	s0 =	sor.u32 s1, s0  }
0xbc: {  	s0 =	sadd.s32 $0x8F2B, s0  }
0xbd: {  	[sflag:s0] =	ssyncadd.remote.s32 $0x1  }
0xbe: {  	_ =	sfence.sel $0xFFFF  }
0xbf: {  	[dreg:$0x0] =	wrdreg $0xFFFFFFFF;
	(pc) =	sbr.abs _section_cstart, $3  }
0xc0: {  	[dreg:$0x1] =	wrdreg $0xFFFFFFFF  }
0xc1: {  	_ =	task.clear_ibuf [dreg:s7], $0x2FFFF;
	_ =	strace $0x9FFFFFFF  }
0xc2: {  	(tm) =	ssettm $0x7FFFFFFF  }
0xc3: {  	_ =	shalt  }
tec
execute0_lowered:
.L_overlay_start_1:
0x0: {  	(tag) =	ssettag $0x1  }
0x1: {  	s1 =	srdreg.scid;
	s3 =	rddreg [dreg:$0x0]  }
0x2: {  	s0 =	stileid.u32;
	s6 =	rddreg [dreg:$0x1];
	s2 =	simm.s32 $0x0  }
0x3: {  	s18 =	simm.s32 $0x880;
	s19 =	simm.s32 $0x1080;
	s20 =	simm.s32 $0x1880  }
0x4: {  	s22 =	simm.s32 $0x2080;
	s23 =	simm.s32 $0x2880;
	s7 =	simm.s32 $0x3080  }
0x5: {  	s24 =	simm.s32 $0x3880;
	s8 =	simm.s32 $0x4080;
	[smem:$0x7FF] =	sst s2  }
0x6: {  	s25 =	simm.s32 $0x4880;
	_ =	strace $0x80000047;
	[dreg:$0x5] =	wrdreg s18  }
0x7: {  	s26 =	simm.s32 $0x5080;
	s9 =	simm.s32 $0x80;
	[dreg:$0x6] =	wrdreg s19  }
0x8: {  	s11 =	simm.s32 $0x6080;
	s12 =	simm.s32 $0x6880;
	[dreg:$0x7] =	wrdreg s20  }
0x9: {  	s13 =	simm.s32 $0x7080;
	s14 =	simm.s32 $0x7880;
	[dreg:$0x8] =	wrdreg s22  }
0xa: {  	s15 =	simm.s32 $0x8080;
	s16 =	simm.s32 $0x8880;
	[dreg:$0x9] =	wrdreg s23  }
0xb: {  	s17 =	simm.s32 $0x9080;
	s28 =	simm.s32 $0xE080;
	[dreg:$0xa] =	wrdreg s7  }
0xc: {  	s29 =	simm.s32 $0xE880;
	s30 =	simm.s32 $0xF080;
	[dreg:$0xb] =	wrdreg s24  }
0xd: {  	s31 =	simm.s32 $0xF880;
	s1 =	sand.u32 $0x1, s1;
	[dreg:$0xc] =	wrdreg s8  }
0xe: {  	s4 =	sshll.u32 s0, $0x7;
	s5 =	sshll.u32 s1, $0x6;
	[dreg:$0xd] =	wrdreg s25  }
0xf: {  	s1 =	ssub.s32 $0x2, s1;
	s8 =	simm.s32 $0x2;
	[dreg:$0xe] =	wrdreg s26  }
0x10: {  	s18 =	simm.s32 $0x9880;
	s19 =	simm.s32 $0xA080;
	s20 =	simm.s32 $0xA880  }
0x11: {  	s22 =	simm.s32 $0xB880;
	s23 =	simm.s32 $0xC080;
	s24 =	simm.s32 $0xC880  }
0x12: {  	s25 =	simm.s32 $0xD080;
	s26 =	simm.s32 $0xD880;
	s4 =	sor.u32 s5, s4  }
0x13: {  	s21 =	sshrl.u32 s1, $0x1;
	s5 =	sshrl.u32 s4, $0x3;
	s4 =	sshll.u32 s4, $0x7  }
0x14: {  	s1 =	ssub.s32 s1, s21;
	s21 =	simm.s32 $0xB080;
	s5 =	sadd.s32 s6, s5  }
0x15: {  	v2 =	vlaneseq.u32;
	s3 =	sadd.s32 s3, s4;
	s4 =	sadd.s32 $0x300, s6;
	[dreg:$0x3] =	wrdreg s5  }
0x16: {  	vm0 =	vmmov $0xffff;
	v1 =	vshrl.u32 v2, $0x3;
	s7 =	smax.u32 s1, $0x1;
	s1 =	simm.s32 $0x1;
	[dreg:$0x4] =	wrdreg s3  }
0x17: {  	v0 =	vand.u32 $0x7, v2;
	v2 =	vor.u32 $0x8, v2;
	v1 =	vmul.u32 $0x8, v1;
	s3 =	sadd.s32 $0x200, s6;
	s5 =	sadd.s32 $0x400, s6;
	s6 =	sadd.s32 $0x500, s6  }
.LBB2_1:
0x18: {  	s0 =	rddreg [dreg:$0x3]  }
0x19: {  	[tilespmem:s2], [sflag:$0x2] =	stream.linear.gather [hbm4b:s0+s2], $0x40, $0x38;
	[tilespmem:$0x10080] =	vst v63  }
0x1a: {  	_ =	swait.ge [sflag:s8], $0x40  }
0x1b: {  	[sflag:s8] =	ssyncset.done $0x0  }
0x1c: {  	s10 =	rddreg [dreg:$0x4];
	[sflag:s8] =	ssyncadd.s32 $0xFFFFFFC0  }
0x1d: {  	[tilespmem:s9], [sflag:$0x2] =	stream.linear.gather [hbm4b:s10+s2], $0x10000, $0x38;
	[tilespmem:$0x10080] =	vst v63  }
0x1e: {  	_ =	swait.ge [sflag:s8], $0x10000  }
0x1f: {  	[sflag:s8] =	ssyncset.done $0x0  }
0x20: {  	[sflag:s8] =	ssyncadd.s32 $0xFFFF0000  }
0x21: {  	v3 =	vld [tilespmem:$0x0];
	_ =	sdelay $0x4  }
0x22: {  	v4 =	vshll.u32 v3, $0x3  }
0x23: {  	v3 =	vand.u32 $0x7, v3;
	v4 =	vand.u32 $0xFFFFFFC0, v4  }
0x24: {  	v3 =	vor.u32 v3, v4  }
0x25: {  	v4 =	vperm.xlane v3, v0;
	_ =	sdelay $0x1  }
0x26: {  	v4 =	vadd.s32 v1, v4;
	_ =	sdelay $0x4  }
0x27: {  	[hbm4b:s3+s2] =	stream.indirect_vreg.scatter [tilespmem:s9], [sflag:$0x1], $0x80, v4, vm0, $0xb8;
	[tilespmem:$0x10080] =	vst v63  }
0x28: {  	s0 =	rddreg [dreg:$0x5];
	v3 =	vperm.xlane v3, v2  }
0x29: {  	[hbm4b:s4+s2] =	stream.indirect_vreg.scatter [tilespmem:s0], [sflag:$0x1], $0x80, v4, vm0, $0xb8;
	[tilespmem:$0x10080] =	vst v63  }
0x2a: {  	s10 =	rddreg [dreg:$0x6];
	v3 =	vadd.s32 v1, v3  }
0x2b: {  	[hbm4b:s5+s2] =	stream.indirect_vreg.scatter [tilespmem:s10], [sflag:$0x1], $0x80, v4, vm0, $0xb8;
	[tilespmem:$0x10080] =	vst v63  }
0x2c: {  	s0 =	rddreg [dreg:$0x7]  }
0x2d: {  	[hbm4b:s6+s2] =	stream.indirect_vreg.scatter [tilespmem:s0], [sflag:$0x1], $0x80, v4, vm0, $0xb8;
	[tilespmem:$0x10080] =	vst v63  }
0x2e: {  	s10 =	rddreg [dreg:$0x8]  }
0x2f: {  	[hbm4b:s3+s2] =	stream.indirect_vreg.scatter [tilespmem:s10], [sflag:$0x1], $0x80, v3, vm0, $0xb8;
	[tilespmem:$0x10080] =	vst v63  }
0x30: {  	s0 =	rddreg [dreg:$0x9]  }
0x31: {  	[hbm4b:s4+s2] =	stream.indirect_vreg.scatter [tilespmem:s0], [sflag:$0x1], $0x80, v3, vm0, $0xb8;
	[tilespmem:$0x10080] =	vst v63  }
0x32: {  	s10 =	rddreg [dreg:$0xa]  }
0x33: {  	[hbm4b:s5+s2] =	stream.indirect_vreg.scatter [tilespmem:s10], [sflag:$0x1], $0x80, v3, vm0, $0xb8;
	[tilespmem:$0x10080] =	vst v63  }
0x34: {  	s0 =	rddreg [dreg:$0xb]  }
0x35: {  	[hbm4b:s6+s2] =	stream.indirect_vreg.scatter [tilespmem:s0], [sflag:$0x1], $0x80, v3, vm0, $0xb8;
	[tilespmem:$0x10080] =	vst v63  }
0x36: {  	v3 =	vld [tilespmem:$0x10];
	_ =	sdelay $0x4  }
0x37: {  	v61 =	vshll.u32 v3, $0x3  }
0x38: {  	v3 =	vand.u32 $0x7, v3;
	v4 =	vand.u32 $0xFFFFFFC0, v61  }
0x39: {  	v3 =	vor.u32 v3, v4  }
0x3a: {  	v4 =	vperm.xlane v3, v0;
	_ =	sdelay $0x1  }
0x3b: {  	v4 =	vadd.s32 v1, v4;
	_ =	sdelay $0x3  }
0x3c: {  	s0 =	rddreg [dreg:$0xc]  }
0x3d: {  	[hbm4b:s3+s2] =	stream.indirect_vreg.scatter [tilespmem:s0], [sflag:$0x1], $0x80, v4, vm0, $0xb8;
	[tilespmem:$0x10080] =	vst v63  }
0x3e: {  	s10 =	rddreg [dreg:$0xd];
	v3 =	vperm.xlane v3, v2  }
0x3f: {  	[hbm4b:s4+s2] =	stream.indirect_vreg.scatter [tilespmem:s10], [sflag:$0x1], $0x80, v4, vm0, $0xb8;
	[tilespmem:$0x10080] =	vst v63  }
0x40: {  	v3 =	vadd.s32 v1, v3;
	s0 =	rddreg [dreg:$0xe]  }
0x41: {  	[hbm4b:s5+s2] =	stream.indirect_vreg.scatter [tilespmem:s0], [sflag:$0x1], $0x80, v4, vm0, $0xb8;
	[tilespmem:$0x10080] =	vst v63  }
0x42: {  	s10 =	simm.s32 $0x5880  }
0x43: {  	[hbm4b:s6+s2] =	stream.indirect_vreg.scatter [tilespmem:s10], [sflag:$0x1], $0x80, v4, vm0, $0xb8;
	[tilespmem:$0x10080] =	vst v63  }
0x44: {  	_ = 	snop  }
0x45: {  	[hbm4b:s3+s2] =	stream.indirect_vreg.scatter [tilespmem:s11], [sflag:$0x1], $0x80, v3, vm0, $0xb8;
	[tilespmem:$0x10080] =	vst v63  }
0x46: {  	_ = 	snop  }
0x47: {  	[hbm4b:s4+s2] =	stream.indirect_vreg.scatter [tilespmem:s12], [sflag:$0x1], $0x80, v3, vm0, $0xb8;
	[tilespmem:$0x10080] =	vst v63  }
0x48: {  	_ = 	snop  }
0x49: {  	[hbm4b:s5+s2] =	stream.indirect_vreg.scatter [tilespmem:s13], [sflag:$0x1], $0x80, v3, vm0, $0xb8;
	[tilespmem:$0x10080] =	vst v63  }
0x4a: {  	_ = 	snop  }
0x4b: {  	[hbm4b:s6+s2] =	stream.indirect_vreg.scatter [tilespmem:s14], [sflag:$0x1], $0x80, v3, vm0, $0xb8;
	[tilespmem:$0x10080] =	vst v63  }
0x4c: {  	v3 =	vld [tilespmem:$0x20];
	_ =	sdelay $0x4  }
0x4d: {  	v62 =	vshll.u32 v3, $0x3  }
0x4e: {  	v3 =	vand.u32 $0x7, v3;
	v4 =	vand.u32 $0xFFFFFFC0, v62  }
0x4f: {  	v3 =	vor.u32 v3, v4  }
0x50: {  	v4 =	vperm.xlane v3, v0;
	_ =	sdelay $0x1  }
0x51: {  	v4 =	vadd.s32 v1, v4;
	_ =	sdelay $0x4  }
0x52: {  	[hbm4b:s3+s2] =	stream.indirect_vreg.scatter [tilespmem:s15], [sflag:$0x1], $0x80, v4, vm0, $0xb8;
	[tilespmem:$0x10080] =	vst v63  }
0x53: {  	v3 =	vperm.xlane v3, v2  }
0x54: {  	[hbm4b:s4+s2] =	stream.indirect_vreg.scatter [tilespmem:s16], [sflag:$0x1], $0x80, v4, vm0, $0xb8;
	[tilespmem:$0x10080] =	vst v63  }
0x55: {  	v3 =	vadd.s32 v1, v3  }
0x56: {  	[hbm4b:s5+s2] =	stream.indirect_vreg.scatter [tilespmem:s17], [sflag:$0x1], $0x80, v4, vm0, $0xb8;
	[tilespmem:$0x10080] =	vst v63  }
0x57: {  	_ = 	snop  }
0x58: {  	[hbm4b:s6+s2] =	stream.indirect_vreg.scatter [tilespmem:s18], [sflag:$0x1], $0x80, v4, vm0, $0xb8;
	[tilespmem:$0x10080] =	vst v63  }
0x59: {  	_ = 	snop  }
0x5a: {  	[hbm4b:s3+s2] =	stream.indirect_vreg.scatter [tilespmem:s19], [sflag:$0x1], $0x80, v3, vm0, $0xb8;
	[tilespmem:$0x10080] =	vst v63  }
0x5b: {  	_ = 	snop  }
0x5c: {  	[hbm4b:s4+s2] =	stream.indirect_vreg.scatter [tilespmem:s20], [sflag:$0x1], $0x80, v3, vm0, $0xb8;
	[tilespmem:$0x10080] =	vst v63  }
0x5d: {  	_ = 	snop  }
0x5e: {  	[hbm4b:s5+s2] =	stream.indirect_vreg.scatter [tilespmem:s21], [sflag:$0x1], $0x80, v3, vm0, $0xb8;
	[tilespmem:$0x10080] =	vst v63  }
0x5f: {  	_ = 	snop  }
0x60: {  	[hbm4b:s6+s2] =	stream.indirect_vreg.scatter [tilespmem:s22], [sflag:$0x1], $0x80, v3, vm0, $0xb8;
	[tilespmem:$0x10080] =	vst v63  }
0x61: {  	v3 =	vld [tilespmem:$0x30];
	_ =	sdelay $0x4  }
0x62: {  	v63 =	vshll.u32 v3, $0x3  }
0x63: {  	v3 =	vand.u32 $0x7, v3;
	v4 =	vand.u32 $0xFFFFFFC0, v63  }
0x64: {  	v3 =	vor.u32 v3, v4  }
0x65: {  	v4 =	vperm.xlane v3, v0;
	_ =	sdelay $0x1  }
0x66: {  	v4 =	vadd.s32 v1, v4;
	_ =	sdelay $0x4  }
0x67: {  	[hbm4b:s3+s2] =	stream.indirect_vreg.scatter [tilespmem:s23], [sflag:$0x1], $0x80, v4, vm0, $0xb8;
	[tilespmem:$0x10080] =	vst v63  }
0x68: {  	v3 =	vperm.xlane v3, v2  }
0x69: {  	[hbm4b:s4+s2] =	stream.indirect_vreg.scatter [tilespmem:s24], [sflag:$0x1], $0x80, v4, vm0, $0xb8;
	[tilespmem:$0x10080] =	vst v63  }
0x6a: {  	v3 =	vadd.s32 v1, v3  }
0x6b: {  	[hbm4b:s5+s2] =	stream.indirect_vreg.scatter [tilespmem:s25], [sflag:$0x1], $0x80, v4, vm0, $0xb8;
	[tilespmem:$0x10080] =	vst v63  }
0x6c: {  	_ = 	snop  }
0x6d: {  	[hbm4b:s6+s2] =	stream.indirect_vreg.scatter [tilespmem:s26], [sflag:$0x1], $0x80, v4, vm0, $0xb8;
	[tilespmem:$0x10080] =	vst v63  }
0x6e: {  	_ = 	snop  }
0x6f: {  	[hbm4b:s3+s2] =	stream.indirect_vreg.scatter [tilespmem:s28], [sflag:$0x1], $0x80, v3, vm0, $0xb8;
	[tilespmem:$0x10080] =	vst v63  }
0x70: {  	_ = 	snop  }
0x71: {  	[hbm4b:s4+s2] =	stream.indirect_vreg.scatter [tilespmem:s29], [sflag:$0x1], $0x80, v3, vm0, $0xb8;
	[tilespmem:$0x10080] =	vst v63  }
0x72: {  	p0 =	sne.s32 s7, $0x1  }
0x73: {  	[hbm4b:s5+s2] =	stream.indirect_vreg.scatter [tilespmem:s30], [sflag:$0x1], $0x80, v3, vm0, $0xb8;
	[tilespmem:$0x10080] =	vst v63  }
.Ltmp0:
0x74: {  	_ = 	snop;
	(pc) =	sbr.rel @p0 .LBB2_1-.Ltmp0, $4  }
0x75: {  	[hbm4b:s6+s2] =	stream.indirect_vreg.scatter [tilespmem:s31], [sflag:$0x1], $0x80, v3, vm0, $0xb8;
	[tilespmem:$0x10080] =	vst v63  }
0x76: {  	_ =	swait.ge [sflag:s1], $0x10000  }
0x77: {  	[sflag:s1] =	ssyncset.done $0x0  }
0x78: {  	s7 =	sadd.s32 $0xFFFFFFFF, s7;
	[sflag:s1] =	ssyncadd.s32 $0xFFFF0000  }
0x79: {  	_ =	sfence.sel $0x180000  }
0x7a: {  	[bflag:$0x0] =	sbarrier.arrive $0xFFFF  }
0x7b: {  	_ =	strace $0x90000047  }
0x7c: {  	s0 =	stileid.u32;
	[bflag:$0x2] =	sbarrier.arrive $0xFFFF  }
0x7d: {  	p0 =	sne.s32 s0, $0x0;
	s0 =	rddreg [dreg:$0x2]  }
0x7e: {  	s0 =	sadd.s32 @!p0 $0x100000, s0  }
0x7f: {  	[sflag:s0] =	ssyncadd.tile.s32 @!p0 $0x1;
	_ =	shalt  }
.Lfunc_end2:
_tile_overlayer_lowered:
.L_overlay_start_2:
0x80: {  	(tag) =	ssettag $0x2  }
0x81: {  	s0 =	rddreg [dreg:$0x0];
	s2 =	stileid.u32  }
0x82: {  	s1 =	rddreg [dreg:$0x1];
	p0 =	sne.s32 s2, $0x0  }
0x83: {  	s3 =	rddreg [dreg:$0x2];
	[bflag:$0x3] =	sbarrier.arrive $0xFFFF;
	s2 =	simm.s32 @!p0 $0x1C02  }
0x84: {  	[timem:s3], [sflag:s2] =	dma.local @!p0 [hbm:s0], s1  }
0x85: {  	s0 =	simm.s32 @!p0 $0x2  }
0x86: {  	_ =	swait.ge @!p0 [sflag:s0], s1  }
0x87: {  	s1 =	ssub.s32 @!p0 $0x0, s1;
	[sflag:s0] =	ssyncset.done @!p0 $0x0  }
0x88: {  	[sflag:s0] =	ssyncadd.s32 @!p0 s1  }
0x89: {  	[bflag:$0x3] =	sbarrier.arrive $0xFFFF  }
0x8a: {  	_ =	shalt  }

</sc_bundles>
